<compile_context>
chip_gen: v7x
topology: tpu7x:2x2x1
jax: 0.10.2.dev20260603
libtpu: 0.0.44.dev20260713+nightly
codegen_flags: <defaults>
</compile_context>

<pallas_src>
import functools

import jax
import jax.numpy as jnp
from jax import lax
from jax.experimental import pallas as pl
from jax.experimental.pallas import tpu as pltpu
from jax.experimental.pallas import tpu_sc as plsc

HIDDEN = 64
VOCAB = 2016
SCALER = 7

NC = 2
NS = 16
NW = NC * NS

B, T = 4096, 200
TOTAL = B * T
PER_W = TOTAL // NW
G0 = 128
FB_W = PER_W // G0
SBK = 2
NSB = FB_W // SBK


def _prep_body(emb_ref, w_ref, b_ref, tod_ref, dow_ref, table_ref, idx_ref):
    t = lax.dot_general(
        emb_ref[:], w_ref[:], (((1,), (1,)), ((), ())),
        preferred_element_type=jnp.float32,
    )
    t = t + b_ref[:]
    table_ref[:] = jnp.concatenate([t[:, 1:], jnp.sin(t[:, :1])], axis=1)
    idx_ref[:] = tod_ref[:] * SCALER + dow_ref[:]


def _prep(emb, W, b, tod, dow):
    return pl.pallas_call(
        _prep_body,
        out_shape=(
            jax.ShapeDtypeStruct((VOCAB, HIDDEN), jnp.float32),
            jax.ShapeDtypeStruct((B, T), jnp.int32),
        ),
    )(emb, W, b.reshape(1, HIDDEN), tod, dow)


@functools.partial(
    pl.kernel,
    mesh=plsc.VectorSubcoreMesh(core_axis_name="c", subcore_axis_name="s"),
    compiler_params=pltpu.CompilerParams(use_tc_tiling_on_sc=False),
    out_type=jax.ShapeDtypeStruct((TOTAL // G0, G0, HIDDEN), jnp.float32),
    scratch_types=[
        pltpu.VMEM((PER_W,), jnp.int32),
        pltpu.VMEM((3, SBK, G0, HIDDEN), jnp.float32),
        pltpu.VMEM_SHARED((VOCAB, HIDDEN), jnp.float32),
        pltpu.SemaphoreType.DMA,
        pltpu.SemaphoreType.DMA,
        pltpu.SemaphoreType.DMA,
        pltpu.SemaphoreType.DMA,
        pltpu.SemaphoreType.DMA,
        pltpu.SemaphoreType.DMA,
        pltpu.SemaphoreType.DMA,
    ],
)
def _sc_gather(idx_hbm, table_hbm, out_hbm,
               idx_v, rows_v, table_sh,
               ssem, gsem0, gsem1, gsem2, wsem0, wsem1, wsem2):
    sid = lax.axis_index("s")
    wid = sid * NC + lax.axis_index("c")
    base = wid * PER_W
    fb0 = wid * FB_W
    gsem = (gsem0, gsem1, gsem2)
    wsem = (wsem0, wsem1, wsem2)

    cp = pltpu.async_copy(idx_hbm.at[pl.ds(base, PER_W)], idx_v, ssem)

    @pl.when(sid == 0)
    def _():
        pltpu.sync_copy(table_hbm, table_sh)

    plsc.subcore_barrier()
    cp.wait()

    def start_gathers(sb, b):
        for k in range(SBK):
            toff = sb * SBK * G0 + k * G0
            pltpu.async_copy(
                table_sh.at[idx_v.at[pl.ds(toff, G0)]],
                rows_v.at[b, k], gsem[b])

    def wait_gathers(b):
        for k in range(SBK):
            pltpu.make_async_copy(
                table_sh.at[idx_v.at[pl.ds(0, G0)]],
                rows_v.at[b, k], gsem[b]).wait()

    def start_write(sb, b):
        pltpu.async_copy(rows_v.at[b],
                         out_hbm.at[pl.ds(fb0 + sb * SBK, SBK)], wsem[b])

    def wait_write(b):
        pltpu.make_async_copy(rows_v.at[b],
                              out_hbm.at[pl.ds(fb0, SBK)], wsem[b]).wait()

    start_gathers(0, 0)
    start_gathers(1, 1)

    def body(s, carry):
        for b in range(3):
            @pl.when(s % 3 == b)
            def _():
                wait_gathers(b)
                start_write(s, b)
                bn = (b + 2) % 3

                @pl.when(s + 2 < NSB)
                def _():
                    @pl.when(s >= 1)
                    def _():
                        wait_write(bn)
                    start_gathers(s + 2, bn)
        return carry

    lax.fori_loop(0, NSB, body, 0)
    wait_write(0)
    wait_write(1)
    wait_write(2)


def kernel(tod, dow, emb, W, b):
    table, idx = _prep(emb, W, b, tod, dow)
    out = _sc_gather(idx.reshape(-1), table)
    return out.reshape(B, T, HIDDEN)

# --- scband reference (transcript-rebuilt; emitter-appended) ---
"""Pipeline reference for scband-temporal-node-feature-12283606466661 (READ-ONLY COPY).

The authoritative reference and input builder live on the scoring server;
editing this copy changes nothing except your own understanding.
"""

import jax, jax.numpy as jnp
import numpy as np

HIDDEN = 64
VOCAB = 2016
SCALER = 7
N_FREQ = 1
B, T = 4096, 200

def setup_inputs(seed: int = 0) -> dict:
    key = jax.random.key(seed)
    k1, k2, k3, k4, k5 = jax.random.split(key, 5)
    tod = jax.random.randint(k1, (B, T), 0, 288, dtype=jnp.int32)
    dow = jax.random.randint(k2, (B, T), 0, 7, dtype=jnp.int32)
    emb = jax.random.normal(k3, (VOCAB, HIDDEN), dtype=jnp.float32) * 0.02
    bound = 1.0 / np.sqrt(HIDDEN)
    W = jax.random.uniform(k4, (HIDDEN, HIDDEN), dtype=jnp.float32, minval=-bound, maxval=bound)
    b = jax.random.uniform(k5, (HIDDEN,), dtype=jnp.float32, minval=-bound, maxval=bound)
    return {"tod": tod, "dow": dow, "emb": emb, "W": W, "b": b}

def reference(tod, dow, emb, W, b):
    x = tod * SCALER + dow
    x_emb = jnp.take(emb, x, axis=0)
    x_weight = x_emb @ W.T + b
    if N_FREQ == 0:
        return x_weight
    if N_FREQ == x_emb.shape[-1]:
        return jnp.sin(x_weight)
    x_linear = x_weight[..., N_FREQ:]
    x_act = jnp.sin(x_weight[..., :N_FREQ])
    return jnp.concatenate([x_linear, x_act], axis=-1)

if __name__ == "__main__":
    import jax
    _d = setup_inputs()
    print(jax.jit(kernel)(*tuple(_d.values())))

</pallas_src>

<mosaic_0001>
#map = affine_map<(d0, d1) -> (0)>
#map1 = affine_map<(d0, d1) -> (0, 0)>
#map2 = affine_map<(d0, d1) -> (0, 0, 0)>
module attributes {stable_mosaic.version = 14 : i64} {
  func.func @_sc_gather(%arg0: i32, %arg1: i32, %arg2: memref<819200xi32, #tpu.memory_space<hbm>>, %arg3: memref<2016x64xf32, #tpu.memory_space<hbm>>, %arg4: memref<6400x128x64xf32, #tpu.memory_space<hbm>>, %arg5: memref<25600xi32, #tpu.memory_space<vmem>>, %arg6: memref<3x2x128x64xf32, #tpu.memory_space<vmem>>, %arg7: memref<2016x64xf32, #tpu.memory_space<vmem_shared>>, %arg8: memref<!tpu.dma_semaphore, #tpu.memory_space<semaphore_mem>>, %arg9: memref<!tpu.dma_semaphore, #tpu.memory_space<semaphore_mem>>, %arg10: memref<!tpu.dma_semaphore, #tpu.memory_space<semaphore_mem>>, %arg11: memref<!tpu.dma_semaphore, #tpu.memory_space<semaphore_mem>>, %arg12: memref<!tpu.dma_semaphore, #tpu.memory_space<semaphore_mem>>, %arg13: memref<!tpu.dma_semaphore, #tpu.memory_space<semaphore_mem>>, %arg14: memref<!tpu.dma_semaphore, #tpu.memory_space<semaphore_mem>>) attributes {dimension_semantics = [#tpu.dimension_semantics<core_parallel>, #tpu.dimension_semantics<subcore_parallel>], iteration_bounds = array<i64: 2, 16>, scalar_prefetch = 0 : i64, scratch_operands = 10 : i64, tpu.core_type = #tpu.core_type<sc_vector_subcore>, window_params = [{transform_indices = #map}, {transform_indices = #map1}, {transform_indices = #map2}]} {
    %mul3A = arith.constant 2 : i32
    %mul3A_0 = arith.muli %arg1, %mul3A : i32
    %add3A = arith.addi %mul3A_0, %arg0 : i32
    %mul3A_1 = arith.constant 25600 : i32
    %mul3A_2 = arith.muli %add3A, %mul3A_1 : i32
    %mul3A_3 = arith.constant 200 : i32
    %mul3A_4 = arith.muli %add3A, %mul3A_3 : i32
    %dma_start3A = tpu.memref_slice %arg2[%mul3A_2] : memref<819200xi32, #tpu.memory_space<hbm>> -> memref<25600xi32, #tpu.memory_space<hbm>>
    %dma_start3A_5 = tpu.memref_slice %arg2[%mul3A_2] : memref<819200xi32, #tpu.memory_space<hbm>> -> memref<25600xi32, #tpu.memory_space<hbm>>
    tpu.enqueue_dma source(%dma_start3A_5 : memref<25600xi32, #tpu.memory_space<hbm>>) target(%arg5 : memref<25600xi32, #tpu.memory_space<vmem>>) target_semaphore(%arg8 : memref<!tpu.dma_semaphore, #tpu.memory_space<semaphore_mem>>)
    %eq3A = arith.constant 0 : i32
    %eq3A_6 = arith.cmpi eq, %arg1, %eq3A : i32
    %convert_element_type3A = arith.extui %eq3A_6 : i1 to i32
    %cond3A = arith.constant 0 : i32
    %cond3A_7 = arith.cmpi ne, %convert_element_type3A, %cond3A : i32
    scf.if %cond3A_7 {
      "tpu.region"() ({
        %run_scoped3A = tpu.sem_alloc : memref<!tpu.dma_semaphore, #tpu.memory_space<semaphore_mem>>
        tpu.enqueue_dma source(%arg3 : memref<2016x64xf32, #tpu.memory_space<hbm>>) target(%arg7 : memref<2016x64xf32, #tpu.memory_space<vmem_shared>>) target_semaphore(%run_scoped3A : memref<!tpu.dma_semaphore, #tpu.memory_space<semaphore_mem>>)
        tpu.wait_dma2 semaphore(%run_scoped3A : memref<!tpu.dma_semaphore, #tpu.memory_space<semaphore_mem>>) src(%arg3 : memref<2016x64xf32, #tpu.memory_space<hbm>>) dst(%arg7 : memref<2016x64xf32, #tpu.memory_space<vmem_shared>>)
        tpu.yield
      }) : () -> ()
    } else {
    }
    %barrier3A = arith.constant 0 : index
    tpu.barrier barrier_id(%barrier3A)
    %dma_wait3A = tpu.memref_slice %arg2[%mul3A_2] : memref<819200xi32, #tpu.memory_space<hbm>> -> memref<25600xi32, #tpu.memory_space<hbm>>
    %dma_wait3A_8 = tpu.memref_slice %arg2[%mul3A_2] : memref<819200xi32, #tpu.memory_space<hbm>> -> memref<25600xi32, #tpu.memory_space<hbm>>
    tpu.wait_dma2 semaphore(%arg8 : memref<!tpu.dma_semaphore, #tpu.memory_space<semaphore_mem>>) src(%dma_wait3A_8 : memref<25600xi32, #tpu.memory_space<hbm>>) dst(%arg5 : memref<25600xi32, #tpu.memory_space<vmem>>)
    %dma_start3A_9 = arith.constant 0 : i32
    %dma_start3A_10 = arith.constant 0 : i32
    %dma_start3A_11 = arith.constant 0 : i32
    %dma_start3A_12 = arith.constant 0 : i32
    %dma_start3A_13 = tpu.memref_slice %arg6[%dma_start3A_9, %dma_start3A_10, %dma_start3A_11, %dma_start3A_12] : memref<3x2x128x64xf32, #tpu.memory_space<vmem>> -> memref<1x1x128x64xf32, #tpu.memory_space<vmem>>
    %dma_start3A_14 = tpu.memref_squeeze %dma_start3A_13 : memref<1x1x128x64xf32, #tpu.memory_space<vmem>> -> memref<128x64xf32, #tpu.memory_space<vmem>>
    %dma_start3A_15 = arith.constant 0 : i32
    %dma_start3A_16 = tpu.memref_slice %arg5[%dma_start3A_15] : memref<25600xi32, #tpu.memory_space<vmem>> -> memref<128xi32, #tpu.memory_space<vmem>>
    %dma_start3A_17 = arith.constant 0 : i32
    %dma_start3A_18 = arith.constant 0 : i32
    %dma_start3A_19 = tpu.memref_slice %arg7[%dma_start3A_17, %dma_start3A_18] : memref<2016x64xf32, #tpu.memory_space<vmem_shared>> -> memref<2016x64xf32, #tpu.memory_space<vmem_shared>>
    tpu.enqueue_indirect_dma source(%dma_start3A_19 : memref<2016x64xf32, #tpu.memory_space<vmem_shared>>) target(%dma_start3A_14 : memref<128x64xf32, #tpu.memory_space<vmem>>) offsets(%dma_start3A_16 : memref<128xi32, #tpu.memory_space<vmem>>) semaphore(%arg9 : memref<!tpu.dma_semaphore, #tpu.memory_space<semaphore_mem>>)
    %dma_start3A_20 = arith.constant 0 : i32
    %dma_start3A_21 = arith.constant 1 : i32
    %dma_start3A_22 = arith.constant 0 : i32
    %dma_start3A_23 = arith.constant 0 : i32
    %dma_start3A_24 = tpu.memref_slice %arg6[%dma_start3A_20, %dma_start3A_21, %dma_start3A_22, %dma_start3A_23] : memref<3x2x128x64xf32, #tpu.memory_space<vmem>> -> memref<1x1x128x64xf32, #tpu.memory_space<vmem>>
    %dma_start3A_25 = tpu.memref_squeeze %dma_start3A_24 : memref<1x1x128x64xf32, #tpu.memory_space<vmem>> -> memref<128x64xf32, #tpu.memory_space<vmem>>
    %dma_start3A_26 = arith.constant 128 : i32
    %dma_start3A_27 = tpu.memref_slice %arg5[%dma_start3A_26] : memref<25600xi32, #tpu.memory_space<vmem>> -> memref<128xi32, #tpu.memory_space<vmem>>
    %dma_start3A_28 = arith.constant 0 : i32
    %dma_start3A_29 = arith.constant 0 : i32
    %dma_start3A_30 = tpu.memref_slice %arg7[%dma_start3A_28, %dma_start3A_29] : memref<2016x64xf32, #tpu.memory_space<vmem_shared>> -> memref<2016x64xf32, #tpu.memory_space<vmem_shared>>
    tpu.enqueue_indirect_dma source(%dma_start3A_30 : memref<2016x64xf32, #tpu.memory_space<vmem_shared>>) target(%dma_start3A_25 : memref<128x64xf32, #tpu.memory_space<vmem>>) offsets(%dma_start3A_27 : memref<128xi32, #tpu.memory_space<vmem>>) semaphore(%arg9 : memref<!tpu.dma_semaphore, #tpu.memory_space<semaphore_mem>>)
    %dma_start3A_31 = arith.constant 1 : i32
    %dma_start3A_32 = arith.constant 0 : i32
    %dma_start3A_33 = arith.constant 0 : i32
    %dma_start3A_34 = arith.constant 0 : i32
    %dma_start3A_35 = tpu.memref_slice %arg6[%dma_start3A_31, %dma_start3A_32, %dma_start3A_33, %dma_start3A_34] : memref<3x2x128x64xf32, #tpu.memory_space<vmem>> -> memref<1x1x128x64xf32, #tpu.memory_space<vmem>>
    %dma_start3A_36 = tpu.memref_squeeze %dma_start3A_35 : memref<1x1x128x64xf32, #tpu.memory_space<vmem>> -> memref<128x64xf32, #tpu.memory_space<vmem>>
    %dma_start3A_37 = arith.constant 256 : i32
    %dma_start3A_38 = tpu.memref_slice %arg5[%dma_start3A_37] : memref<25600xi32, #tpu.memory_space<vmem>> -> memref<128xi32, #tpu.memory_space<vmem>>
    %dma_start3A_39 = arith.constant 0 : i32
    %dma_start3A_40 = arith.constant 0 : i32
    %dma_start3A_41 = tpu.memref_slice %arg7[%dma_start3A_39, %dma_start3A_40] : memref<2016x64xf32, #tpu.memory_space<vmem_shared>> -> memref<2016x64xf32, #tpu.memory_space<vmem_shared>>
    tpu.enqueue_indirect_dma source(%dma_start3A_41 : memref<2016x64xf32, #tpu.memory_space<vmem_shared>>) target(%dma_start3A_36 : memref<128x64xf32, #tpu.memory_space<vmem>>) offsets(%dma_start3A_38 : memref<128xi32, #tpu.memory_space<vmem>>) semaphore(%arg10 : memref<!tpu.dma_semaphore, #tpu.memory_space<semaphore_mem>>)
    %dma_start3A_42 = arith.constant 1 : i32
    %dma_start3A_43 = arith.constant 1 : i32
    %dma_start3A_44 = arith.constant 0 : i32
    %dma_start3A_45 = arith.constant 0 : i32
    %dma_start3A_46 = tpu.memref_slice %arg6[%dma_start3A_42, %dma_start3A_43, %dma_start3A_44, %dma_start3A_45] : memref<3x2x128x64xf32, #tpu.memory_space<vmem>> -> memref<1x1x128x64xf32, #tpu.memory_space<vmem>>
    %dma_start3A_47 = tpu.memref_squeeze %dma_start3A_46 : memref<1x1x128x64xf32, #tpu.memory_space<vmem>> -> memref<128x64xf32, #tpu.memory_space<vmem>>
    %dma_start3A_48 = arith.constant 384 : i32
    %dma_start3A_49 = tpu.memref_slice %arg5[%dma_start3A_48] : memref<25600xi32, #tpu.memory_space<vmem>> -> memref<128xi32, #tpu.memory_space<vmem>>
    %dma_start3A_50 = arith.constant 0 : i32
    %dma_start3A_51 = arith.constant 0 : i32
    %dma_start3A_52 = tpu.memref_slice %arg7[%dma_start3A_50, %dma_start3A_51] : memref<2016x64xf32, #tpu.memory_space<vmem_shared>> -> memref<2016x64xf32, #tpu.memory_space<vmem_shared>>
    tpu.enqueue_indirect_dma source(%dma_start3A_52 : memref<2016x64xf32, #tpu.memory_space<vmem_shared>>) target(%dma_start3A_47 : memref<128x64xf32, #tpu.memory_space<vmem>>) offsets(%dma_start3A_49 : memref<128xi32, #tpu.memory_space<vmem>>) semaphore(%arg10 : memref<!tpu.dma_semaphore, #tpu.memory_space<semaphore_mem>>)
    %scan3A = arith.constant 0 : i32
    %scan3A_53 = arith.constant 0 : i32
    %scan3A_54 = arith.constant 100 : i32
    %scan3A_55 = arith.addi %scan3A_53, %scan3A_54 : i32
    %scan3A_56 = arith.constant 1 : i32
    scf.for %scan3A_109 = %scan3A_53 to %scan3A_55 step %scan3A_56  : i32 {
      %jit3A = arith.constant 3 : i32
      %eq3A_110 = arith.constant 0 : i32
      %eq3A_111 = arith.cmpi eq, %jit3A, %eq3A_110 : i32
      %jit3A_112 = arith.constant 1 : i32
      %select_n3A = arith.select %eq3A_111, %jit3A_112, %jit3A : i32
      %rem3A = arith.remsi %scan3A_109, %select_n3A : i32
      %ne3A = arith.constant 0 : i32
      %ne3A_113 = arith.cmpi ne, %rem3A, %ne3A : i32
      %lt3A = arith.constant 0 : i32
      %lt3A_114 = arith.cmpi slt, %rem3A, %lt3A : i32
      %lt3A_115 = arith.constant 0 : i32
      %lt3A_116 = arith.cmpi slt, %select_n3A, %lt3A_115 : i32
      %ne3A_117 = arith.xori %lt3A_114, %lt3A_116 : i1
      %and3A = arith.andi %ne3A_117, %ne3A_113 : i1
      %add3A_118 = arith.addi %rem3A, %select_n3A : i32
      %select_n3A_119 = arith.select %and3A, %add3A_118, %rem3A : i32
      %eq3A_120 = arith.constant 0 : i32
      %eq3A_121 = arith.cmpi eq, %select_n3A_119, %eq3A_120 : i32
      %convert_element_type3A_122 = arith.extui %eq3A_121 : i1 to i32
      %cond3A_123 = arith.constant 0 : i32
      %cond3A_124 = arith.cmpi ne, %convert_element_type3A_122, %cond3A_123 : i32
      scf.if %cond3A_124 {
        %dma_wait3A_167 = arith.constant 0 : i32
        %dma_wait3A_168 = arith.constant 0 : i32
        %dma_wait3A_169 = arith.constant 0 : i32
        %dma_wait3A_170 = arith.constant 0 : i32
        %dma_wait3A_171 = tpu.memref_slice %arg6[%dma_wait3A_167, %dma_wait3A_168, %dma_wait3A_169, %dma_wait3A_170] : memref<3x2x128x64xf32, #tpu.memory_space<vmem>> -> memref<1x1x128x64xf32, #tpu.memory_space<vmem>>
        %dma_wait3A_172 = tpu.memref_squeeze %dma_wait3A_171 : memref<1x1x128x64xf32, #tpu.memory_space<vmem>> -> memref<128x64xf32, #tpu.memory_space<vmem>>
        %dma_wait3A_173 = arith.constant 0 : i32
        %dma_wait3A_174 = tpu.memref_slice %arg5[%dma_wait3A_173] : memref<25600xi32, #tpu.memory_space<vmem>> -> memref<128xi32, #tpu.memory_space<vmem>>
        %dma_wait3A_175 = arith.constant 0 : i32
        %dma_wait3A_176 = arith.constant 0 : i32
        %dma_wait3A_177 = tpu.memref_slice %arg7[%dma_wait3A_175, %dma_wait3A_176] : memref<2016x64xf32, #tpu.memory_space<vmem_shared>> -> memref<2016x64xf32, #tpu.memory_space<vmem_shared>>
        tpu.wait_indirect_dma semaphore(%arg9 : memref<!tpu.dma_semaphore, #tpu.memory_space<semaphore_mem>>) src(%dma_wait3A_177 : memref<2016x64xf32, #tpu.memory_space<vmem_shared>>) dst(%dma_wait3A_172 : memref<128x64xf32, #tpu.memory_space<vmem>>)
        %dma_wait3A_178 = arith.constant 0 : i32
        %dma_wait3A_179 = arith.constant 1 : i32
        %dma_wait3A_180 = arith.constant 0 : i32
        %dma_wait3A_181 = arith.constant 0 : i32
        %dma_wait3A_182 = tpu.memref_slice %arg6[%dma_wait3A_178, %dma_wait3A_179, %dma_wait3A_180, %dma_wait3A_181] : memref<3x2x128x64xf32, #tpu.memory_space<vmem>> -> memref<1x1x128x64xf32, #tpu.memory_space<vmem>>
        %dma_wait3A_183 = tpu.memref_squeeze %dma_wait3A_182 : memref<1x1x128x64xf32, #tpu.memory_space<vmem>> -> memref<128x64xf32, #tpu.memory_space<vmem>>
        %dma_wait3A_184 = arith.constant 0 : i32
        %dma_wait3A_185 = tpu.memref_slice %arg5[%dma_wait3A_184] : memref<25600xi32, #tpu.memory_space<vmem>> -> memref<128xi32, #tpu.memory_space<vmem>>
        %dma_wait3A_186 = arith.constant 0 : i32
        %dma_wait3A_187 = arith.constant 0 : i32
        %dma_wait3A_188 = tpu.memref_slice %arg7[%dma_wait3A_186, %dma_wait3A_187] : memref<2016x64xf32, #tpu.memory_space<vmem_shared>> -> memref<2016x64xf32, #tpu.memory_space<vmem_shared>>
        tpu.wait_indirect_dma semaphore(%arg9 : memref<!tpu.dma_semaphore, #tpu.memory_space<semaphore_mem>>) src(%dma_wait3A_188 : memref<2016x64xf32, #tpu.memory_space<vmem_shared>>) dst(%dma_wait3A_183 : memref<128x64xf32, #tpu.memory_space<vmem>>)
        %mul3A_189 = arith.constant 2 : i32
        %mul3A_190 = arith.muli %scan3A_109, %mul3A_189 : i32
        %add3A_191 = arith.addi %mul3A_4, %mul3A_190 : i32
        %dma_start3A_192 = arith.constant 0 : i32
        %dma_start3A_193 = arith.constant 0 : i32
        %dma_start3A_194 = arith.constant 0 : i32
        %dma_start3A_195 = arith.constant 0 : i32
        %dma_start3A_196 = tpu.memref_slice %arg6[%dma_start3A_192, %dma_start3A_193, %dma_start3A_194, %dma_start3A_195] : memref<3x2x128x64xf32, #tpu.memory_space<vmem>> -> memref<1x2x128x64xf32, #tpu.memory_space<vmem>>
        %dma_start3A_197 = tpu.memref_squeeze %dma_start3A_196 : memref<1x2x128x64xf32, #tpu.memory_space<vmem>> -> memref<2x128x64xf32, #tpu.memory_space<vmem>>
        %dma_start3A_198 = arith.constant 0 : i32
        %dma_start3A_199 = arith.constant 0 : i32
        %dma_start3A_200 = tpu.memref_slice %arg4[%add3A_191, %dma_start3A_198, %dma_start3A_199] : memref<6400x128x64xf32, #tpu.memory_space<hbm>> -> memref<2x128x64xf32, #tpu.memory_space<hbm>>
        %dma_start3A_201 = arith.constant 0 : i32
        %dma_start3A_202 = arith.constant 0 : i32
        %dma_start3A_203 = tpu.memref_slice %arg4[%add3A_191, %dma_start3A_201, %dma_start3A_202] : memref<6400x128x64xf32, #tpu.memory_space<hbm>> -> memref<2x128x64xf32, #tpu.memory_space<hbm>>
        %dma_start3A_204 = arith.constant 0 : i32
        %dma_start3A_205 = arith.constant 0 : i32
        %dma_start3A_206 = arith.constant 0 : i32
        %dma_start3A_207 = tpu.memref_slice %arg6[%dma_start3A_192, %dma_start3A_204, %dma_start3A_205, %dma_start3A_206] : memref<3x2x128x64xf32, #tpu.memory_space<vmem>> -> memref<1x2x128x64xf32, #tpu.memory_space<vmem>>
        %dma_start3A_208 = tpu.memref_squeeze %dma_start3A_207 : memref<1x2x128x64xf32, #tpu.memory_space<vmem>> -> memref<2x128x64xf32, #tpu.memory_space<vmem>>
        tpu.enqueue_dma source(%dma_start3A_208 : memref<2x128x64xf32, #tpu.memory_space<vmem>>) target(%dma_start3A_203 : memref<2x128x64xf32, #tpu.memory_space<hbm>>) target_semaphore(%arg12 : memref<!tpu.dma_semaphore, #tpu.memory_space<semaphore_mem>>)
        %add3A_209 = arith.constant 2 : i32
        %add3A_210 = arith.addi %scan3A_109, %add3A_209 : i32
        %lt3A_211 = arith.constant 100 : i32
        %lt3A_212 = arith.cmpi slt, %add3A_210, %lt3A_211 : i32
        %convert_element_type3A_213 = arith.extui %lt3A_212 : i1 to i32
        %cond3A_214 = arith.constant 0 : i32
        %cond3A_215 = arith.cmpi ne, %convert_element_type3A_213, %cond3A_214 : i32
        scf.if %cond3A_215 {
          %ge3A = arith.constant 1 : i32
          %ge3A_216 = arith.cmpi sge, %scan3A_109, %ge3A : i32
          %convert_element_type3A_217 = arith.extui %ge3A_216 : i1 to i32
          %cond3A_218 = arith.constant 0 : i32
          %cond3A_219 = arith.cmpi ne, %convert_element_type3A_217, %cond3A_218 : i32
          scf.if %cond3A_219 {
            %dma_wait3A_254 = arith.constant 2 : i32
            %dma_wait3A_255 = arith.constant 0 : i32
            %dma_wait3A_256 = arith.constant 0 : i32
            %dma_wait3A_257 = arith.constant 0 : i32
            %dma_wait3A_258 = tpu.memref_slice %arg6[%dma_wait3A_254, %dma_wait3A_255, %dma_wait3A_256, %dma_wait3A_257] : memref<3x2x128x64xf32, #tpu.memory_space<vmem>> -> memref<1x2x128x64xf32, #tpu.memory_space<vmem>>
            %dma_wait3A_259 = tpu.memref_squeeze %dma_wait3A_258 : memref<1x2x128x64xf32, #tpu.memory_space<vmem>> -> memref<2x128x64xf32, #tpu.memory_space<vmem>>
            %dma_wait3A_260 = arith.constant 0 : i32
            %dma_wait3A_261 = arith.constant 0 : i32
            %dma_wait3A_262 = tpu.memref_slice %arg4[%mul3A_4, %dma_wait3A_260, %dma_wait3A_261] : memref<6400x128x64xf32, #tpu.memory_space<hbm>> -> memref<2x128x64xf32, #tpu.memory_space<hbm>>
            %dma_wait3A_263 = arith.constant 0 : i32
            %dma_wait3A_264 = arith.constant 0 : i32
            %dma_wait3A_265 = tpu.memref_slice %arg4[%mul3A_4, %dma_wait3A_263, %dma_wait3A_264] : memref<6400x128x64xf32, #tpu.memory_space<hbm>> -> memref<2x128x64xf32, #tpu.memory_space<hbm>>
            %dma_wait3A_266 = arith.constant 0 : i32
            %dma_wait3A_267 = arith.constant 0 : i32
            %dma_wait3A_268 = arith.constant 0 : i32
            %dma_wait3A_269 = tpu.memref_slice %arg6[%dma_wait3A_254, %dma_wait3A_266, %dma_wait3A_267, %dma_wait3A_268] : memref<3x2x128x64xf32, #tpu.memory_space<vmem>> -> memref<1x2x128x64xf32, #tpu.memory_space<vmem>>
            %dma_wait3A_270 = tpu.memref_squeeze %dma_wait3A_269 : memref<1x2x128x64xf32, #tpu.memory_space<vmem>> -> memref<2x128x64xf32, #tpu.memory_space<vmem>>
            tpu.wait_dma2 semaphore(%arg14 : memref<!tpu.dma_semaphore, #tpu.memory_space<semaphore_mem>>) src(%dma_wait3A_270 : memref<2x128x64xf32, #tpu.memory_space<vmem>>) dst(%dma_wait3A_265 : memref<2x128x64xf32, #tpu.memory_space<hbm>>)
          } else {
          }
          %add3A_220 = arith.constant 2 : i32
          %add3A_221 = arith.addi %scan3A_109, %add3A_220 : i32
          %mul3A_222 = arith.constant 2 : i32
          %mul3A_223 = arith.muli %add3A_221, %mul3A_222 : i32
          %mul3A_224 = arith.constant 128 : i32
          %mul3A_225 = arith.muli %mul3A_223, %mul3A_224 : i32
          %add3A_226 = arith.constant 0 : i32
          %add3A_227 = arith.addi %mul3A_225, %add3A_226 : i32
          %dma_start3A_228 = arith.constant 2 : i32
          %dma_start3A_229 = arith.constant 0 : i32
          %dma_start3A_230 = arith.constant 0 : i32
          %dma_start3A_231 = arith.constant 0 : i32
          %dma_start3A_232 = tpu.memref_slice %arg6[%dma_start3A_228, %dma_start3A_229, %dma_start3A_230, %dma_start3A_231] : memref<3x2x128x64xf32, #tpu.memory_space<vmem>> -> memref<1x1x128x64xf32, #tpu.memory_space<vmem>>
          %dma_start3A_233 = tpu.memref_squeeze %dma_start3A_232 : memref<1x1x128x64xf32, #tpu.memory_space<vmem>> -> memref<128x64xf32, #tpu.memory_space<vmem>>
          %dma_start3A_234 = tpu.memref_slice %arg5[%add3A_227] : memref<25600xi32, #tpu.memory_space<vmem>> -> memref<128xi32, #tpu.memory_space<vmem>>
          %dma_start3A_235 = arith.constant 0 : i32
          %dma_start3A_236 = arith.constant 0 : i32
          %dma_start3A_237 = tpu.memref_slice %arg7[%dma_start3A_235, %dma_start3A_236] : memref<2016x64xf32, #tpu.memory_space<vmem_shared>> -> memref<2016x64xf32, #tpu.memory_space<vmem_shared>>
          tpu.enqueue_indirect_dma source(%dma_start3A_237 : memref<2016x64xf32, #tpu.memory_space<vmem_shared>>) target(%dma_start3A_233 : memref<128x64xf32, #tpu.memory_space<vmem>>) offsets(%dma_start3A_234 : memref<128xi32, #tpu.memory_space<vmem>>) semaphore(%arg11 : memref<!tpu.dma_semaphore, #tpu.memory_space<semaphore_mem>>)
          %mul3A_238 = arith.constant 2 : i32
          %mul3A_239 = arith.muli %add3A_221, %mul3A_238 : i32
          %mul3A_240 = arith.constant 128 : i32
          %mul3A_241 = arith.muli %mul3A_239, %mul3A_240 : i32
          %add3A_242 = arith.constant 128 : i32
          %add3A_243 = arith.addi %mul3A_241, %add3A_242 : i32
          %dma_start3A_244 = arith.constant 2 : i32
          %dma_start3A_245 = arith.constant 1 : i32
          %dma_start3A_246 = arith.constant 0 : i32
          %dma_start3A_247 = arith.constant 0 : i32
          %dma_start3A_248 = tpu.memref_slice %arg6[%dma_start3A_244, %dma_start3A_245, %dma_start3A_246, %dma_start3A_247] : memref<3x2x128x64xf32, #tpu.memory_space<vmem>> -> memref<1x1x128x64xf32, #tpu.memory_space<vmem>>
          %dma_start3A_249 = tpu.memref_squeeze %dma_start3A_248 : memref<1x1x128x64xf32, #tpu.memory_space<vmem>> -> memref<128x64xf32, #tpu.memory_space<vmem>>
          %dma_start3A_250 = tpu.memref_slice %arg5[%add3A_243] : memref<25600xi32, #tpu.memory_space<vmem>> -> memref<128xi32, #tpu.memory_space<vmem>>
          %dma_start3A_251 = arith.constant 0 : i32
          %dma_start3A_252 = arith.constant 0 : i32
          %dma_start3A_253 = tpu.memref_slice %arg7[%dma_start3A_251, %dma_start3A_252] : memref<2016x64xf32, #tpu.memory_space<vmem_shared>> -> memref<2016x64xf32, #tpu.memory_space<vmem_shared>>
          tpu.enqueue_indirect_dma source(%dma_start3A_253 : memref<2016x64xf32, #tpu.memory_space<vmem_shared>>) target(%dma_start3A_249 : memref<128x64xf32, #tpu.memory_space<vmem>>) offsets(%dma_start3A_250 : memref<128xi32, #tpu.memory_space<vmem>>) semaphore(%arg11 : memref<!tpu.dma_semaphore, #tpu.memory_space<semaphore_mem>>)
        } else {
        }
      } else {
      }
      %jit3A_125 = arith.constant 3 : i32
      %eq3A_126 = arith.constant 0 : i32
      %eq3A_127 = arith.cmpi eq, %jit3A_125, %eq3A_126 : i32
      %jit3A_128 = arith.constant 1 : i32
      %select_n3A_129 = arith.select %eq3A_127, %jit3A_128, %jit3A_125 : i32
      %rem3A_130 = arith.remsi %scan3A_109, %select_n3A_129 : i32
      %ne3A_131 = arith.constant 0 : i32
      %ne3A_132 = arith.cmpi ne, %rem3A_130, %ne3A_131 : i32
      %lt3A_133 = arith.constant 0 : i32
      %lt3A_134 = arith.cmpi slt, %rem3A_130, %lt3A_133 : i32
      %lt3A_135 = arith.constant 0 : i32
      %lt3A_136 = arith.cmpi slt, %select_n3A_129, %lt3A_135 : i32
      %ne3A_137 = arith.xori %lt3A_134, %lt3A_136 : i1
      %and3A_138 = arith.andi %ne3A_137, %ne3A_132 : i1
      %add3A_139 = arith.addi %rem3A_130, %select_n3A_129 : i32
      %select_n3A_140 = arith.select %and3A_138, %add3A_139, %rem3A_130 : i32
      %eq3A_141 = arith.constant 1 : i32
      %eq3A_142 = arith.cmpi eq, %select_n3A_140, %eq3A_141 : i32
      %convert_element_type3A_143 = arith.extui %eq3A_142 : i1 to i32
      %cond3A_144 = arith.constant 0 : i32
      %cond3A_145 = arith.cmpi ne, %convert_element_type3A_143, %cond3A_144 : i32
      scf.if %cond3A_145 {
        %dma_wait3A_167 = arith.constant 1 : i32
        %dma_wait3A_168 = arith.constant 0 : i32
        %dma_wait3A_169 = arith.constant 0 : i32
        %dma_wait3A_170 = arith.constant 0 : i32
        %dma_wait3A_171 = tpu.memref_slice %arg6[%dma_wait3A_167, %dma_wait3A_168, %dma_wait3A_169, %dma_wait3A_170] : memref<3x2x128x64xf32, #tpu.memory_space<vmem>> -> memref<1x1x128x64xf32, #tpu.memory_space<vmem>>
        %dma_wait3A_172 = tpu.memref_squeeze %dma_wait3A_171 : memref<1x1x128x64xf32, #tpu.memory_space<vmem>> -> memref<128x64xf32, #tpu.memory_space<vmem>>
        %dma_wait3A_173 = arith.constant 0 : i32
        %dma_wait3A_174 = tpu.memref_slice %arg5[%dma_wait3A_173] : memref<25600xi32, #tpu.memory_space<vmem>> -> memref<128xi32, #tpu.memory_space<vmem>>
        %dma_wait3A_175 = arith.constant 0 : i32
        %dma_wait3A_176 = arith.constant 0 : i32
        %dma_wait3A_177 = tpu.memref_slice %arg7[%dma_wait3A_175, %dma_wait3A_176] : memref<2016x64xf32, #tpu.memory_space<vmem_shared>> -> memref<2016x64xf32, #tpu.memory_space<vmem_shared>>
        tpu.wait_indirect_dma semaphore(%arg10 : memref<!tpu.dma_semaphore, #tpu.memory_space<semaphore_mem>>) src(%dma_wait3A_177 : memref<2016x64xf32, #tpu.memory_space<vmem_shared>>) dst(%dma_wait3A_172 : memref<128x64xf32, #tpu.memory_space<vmem>>)
        %dma_wait3A_178 = arith.constant 1 : i32
        %dma_wait3A_179 = arith.constant 1 : i32
        %dma_wait3A_180 = arith.constant 0 : i32
        %dma_wait3A_181 = arith.constant 0 : i32
        %dma_wait3A_182 = tpu.memref_slice %arg6[%dma_wait3A_178, %dma_wait3A_179, %dma_wait3A_180, %dma_wait3A_181] : memref<3x2x128x64xf32, #tpu.memory_space<vmem>> -> memref<1x1x128x64xf32, #tpu.memory_space<vmem>>
        %dma_wait3A_183 = tpu.memref_squeeze %dma_wait3A_182 : memref<1x1x128x64xf32, #tpu.memory_space<vmem>> -> memref<128x64xf32, #tpu.memory_space<vmem>>
        %dma_wait3A_184 = arith.constant 0 : i32
        %dma_wait3A_185 = tpu.memref_slice %arg5[%dma_wait3A_184] : memref<25600xi32, #tpu.memory_space<vmem>> -> memref<128xi32, #tpu.memory_space<vmem>>
        %dma_wait3A_186 = arith.constant 0 : i32
        %dma_wait3A_187 = arith.constant 0 : i32
        %dma_wait3A_188 = tpu.memref_slice %arg7[%dma_wait3A_186, %dma_wait3A_187] : memref<2016x64xf32, #tpu.memory_space<vmem_shared>> -> memref<2016x64xf32, #tpu.memory_space<vmem_shared>>
        tpu.wait_indirect_dma semaphore(%arg10 : memref<!tpu.dma_semaphore, #tpu.memory_space<semaphore_mem>>) src(%dma_wait3A_188 : memref<2016x64xf32, #tpu.memory_space<vmem_shared>>) dst(%dma_wait3A_183 : memref<128x64xf32, #tpu.memory_space<vmem>>)
        %mul3A_189 = arith.constant 2 : i32
        %mul3A_190 = arith.muli %scan3A_109, %mul3A_189 : i32
        %add3A_191 = arith.addi %mul3A_4, %mul3A_190 : i32
        %dma_start3A_192 = arith.constant 1 : i32
        %dma_start3A_193 = arith.constant 0 : i32
        %dma_start3A_194 = arith.constant 0 : i32
        %dma_start3A_195 = arith.constant 0 : i32
        %dma_start3A_196 = tpu.memref_slice %arg6[%dma_start3A_192, %dma_start3A_193, %dma_start3A_194, %dma_start3A_195] : memref<3x2x128x64xf32, #tpu.memory_space<vmem>> -> memref<1x2x128x64xf32, #tpu.memory_space<vmem>>
        %dma_start3A_197 = tpu.memref_squeeze %dma_start3A_196 : memref<1x2x128x64xf32, #tpu.memory_space<vmem>> -> memref<2x128x64xf32, #tpu.memory_space<vmem>>
        %dma_start3A_198 = arith.constant 0 : i32
        %dma_start3A_199 = arith.constant 0 : i32
        %dma_start3A_200 = tpu.memref_slice %arg4[%add3A_191, %dma_start3A_198, %dma_start3A_199] : memref<6400x128x64xf32, #tpu.memory_space<hbm>> -> memref<2x128x64xf32, #tpu.memory_space<hbm>>
        %dma_start3A_201 = arith.constant 0 : i32
        %dma_start3A_202 = arith.constant 0 : i32
        %dma_start3A_203 = tpu.memref_slice %arg4[%add3A_191, %dma_start3A_201, %dma_start3A_202] : memref<6400x128x64xf32, #tpu.memory_space<hbm>> -> memref<2x128x64xf32, #tpu.memory_space<hbm>>
        %dma_start3A_204 = arith.constant 0 : i32
        %dma_start3A_205 = arith.constant 0 : i32
        %dma_start3A_206 = arith.constant 0 : i32
        %dma_start3A_207 = tpu.memref_slice %arg6[%dma_start3A_192, %dma_start3A_204, %dma_start3A_205, %dma_start3A_206] : memref<3x2x128x64xf32, #tpu.memory_space<vmem>> -> memref<1x2x128x64xf32, #tpu.memory_space<vmem>>
        %dma_start3A_208 = tpu.memref_squeeze %dma_start3A_207 : memref<1x2x128x64xf32, #tpu.memory_space<vmem>> -> memref<2x128x64xf32, #tpu.memory_space<vmem>>
        tpu.enqueue_dma source(%dma_start3A_208 : memref<2x128x64xf32, #tpu.memory_space<vmem>>) target(%dma_start3A_203 : memref<2x128x64xf32, #tpu.memory_space<hbm>>) target_semaphore(%arg13 : memref<!tpu.dma_semaphore, #tpu.memory_space<semaphore_mem>>)
        %add3A_209 = arith.constant 2 : i32
        %add3A_210 = arith.addi %scan3A_109, %add3A_209 : i32
        %lt3A_211 = arith.constant 100 : i32
        %lt3A_212 = arith.cmpi slt, %add3A_210, %lt3A_211 : i32
        %convert_element_type3A_213 = arith.extui %lt3A_212 : i1 to i32
        %cond3A_214 = arith.constant 0 : i32
        %cond3A_215 = arith.cmpi ne, %convert_element_type3A_213, %cond3A_214 : i32
        scf.if %cond3A_215 {
          %ge3A = arith.constant 1 : i32
          %ge3A_216 = arith.cmpi sge, %scan3A_109, %ge3A : i32
          %convert_element_type3A_217 = arith.extui %ge3A_216 : i1 to i32
          %cond3A_218 = arith.constant 0 : i32
          %cond3A_219 = arith.cmpi ne, %convert_element_type3A_217, %cond3A_218 : i32
          scf.if %cond3A_219 {
            %dma_wait3A_254 = arith.constant 0 : i32
            %dma_wait3A_255 = arith.constant 0 : i32
            %dma_wait3A_256 = arith.constant 0 : i32
            %dma_wait3A_257 = arith.constant 0 : i32
            %dma_wait3A_258 = tpu.memref_slice %arg6[%dma_wait3A_254, %dma_wait3A_255, %dma_wait3A_256, %dma_wait3A_257] : memref<3x2x128x64xf32, #tpu.memory_space<vmem>> -> memref<1x2x128x64xf32, #tpu.memory_space<vmem>>
            %dma_wait3A_259 = tpu.memref_squeeze %dma_wait3A_258 : memref<1x2x128x64xf32, #tpu.memory_space<vmem>> -> memref<2x128x64xf32, #tpu.memory_space<vmem>>
            %dma_wait3A_260 = arith.constant 0 : i32
            %dma_wait3A_261 = arith.constant 0 : i32
            %dma_wait3A_262 = tpu.memref_slice %arg4[%mul3A_4, %dma_wait3A_260, %dma_wait3A_261] : memref<6400x128x64xf32, #tpu.memory_space<hbm>> -> memref<2x128x64xf32, #tpu.memory_space<hbm>>
            %dma_wait3A_263 = arith.constant 0 : i32
            %dma_wait3A_264 = arith.constant 0 : i32
            %dma_wait3A_265 = tpu.memref_slice %arg4[%mul3A_4, %dma_wait3A_263, %dma_wait3A_264] : memref<6400x128x64xf32, #tpu.memory_space<hbm>> -> memref<2x128x64xf32, #tpu.memory_space<hbm>>
            %dma_wait3A_266 = arith.constant 0 : i32
            %dma_wait3A_267 = arith.constant 0 : i32
            %dma_wait3A_268 = arith.constant 0 : i32
            %dma_wait3A_269 = tpu.memref_slice %arg6[%dma_wait3A_254, %dma_wait3A_266, %dma_wait3A_267, %dma_wait3A_268] : memref<3x2x128x64xf32, #tpu.memory_space<vmem>> -> memref<1x2x128x64xf32, #tpu.memory_space<vmem>>
            %dma_wait3A_270 = tpu.memref_squeeze %dma_wait3A_269 : memref<1x2x128x64xf32, #tpu.memory_space<vmem>> -> memref<2x128x64xf32, #tpu.memory_space<vmem>>
            tpu.wait_dma2 semaphore(%arg12 : memref<!tpu.dma_semaphore, #tpu.memory_space<semaphore_mem>>) src(%dma_wait3A_270 : memref<2x128x64xf32, #tpu.memory_space<vmem>>) dst(%dma_wait3A_265 : memref<2x128x64xf32, #tpu.memory_space<hbm>>)
          } else {
          }
          %add3A_220 = arith.constant 2 : i32
          %add3A_221 = arith.addi %scan3A_109, %add3A_220 : i32
          %mul3A_222 = arith.constant 2 : i32
          %mul3A_223 = arith.muli %add3A_221, %mul3A_222 : i32
          %mul3A_224 = arith.constant 128 : i32
          %mul3A_225 = arith.muli %mul3A_223, %mul3A_224 : i32
          %add3A_226 = arith.constant 0 : i32
          %add3A_227 = arith.addi %mul3A_225, %add3A_226 : i32
          %dma_start3A_228 = arith.constant 0 : i32
          %dma_start3A_229 = arith.constant 0 : i32
          %dma_start3A_230 = arith.constant 0 : i32
          %dma_start3A_231 = arith.constant 0 : i32
          %dma_start3A_232 = tpu.memref_slice %arg6[%dma_start3A_228, %dma_start3A_229, %dma_start3A_230, %dma_start3A_231] : memref<3x2x128x64xf32, #tpu.memory_space<vmem>> -> memref<1x1x128x64xf32, #tpu.memory_space<vmem>>
          %dma_start3A_233 = tpu.memref_squeeze %dma_start3A_232 : memref<1x1x128x64xf32, #tpu.memory_space<vmem>> -> memref<128x64xf32, #tpu.memory_space<vmem>>
          %dma_start3A_234 = tpu.memref_slice %arg5[%add3A_227] : memref<25600xi32, #tpu.memory_space<vmem>> -> memref<128xi32, #tpu.memory_space<vmem>>
          %dma_start3A_235 = arith.constant 0 : i32
          %dma_start3A_236 = arith.constant 0 : i32
          %dma_start3A_237 = tpu.memref_slice %arg7[%dma_start3A_235, %dma_start3A_236] : memref<2016x64xf32, #tpu.memory_space<vmem_shared>> -> memref<2016x64xf32, #tpu.memory_space<vmem_shared>>
          tpu.enqueue_indirect_dma source(%dma_start3A_237 : memref<2016x64xf32, #tpu.memory_space<vmem_shared>>) target(%dma_start3A_233 : memref<128x64xf32, #tpu.memory_space<vmem>>) offsets(%dma_start3A_234 : memref<128xi32, #tpu.memory_space<vmem>>) semaphore(%arg9 : memref<!tpu.dma_semaphore, #tpu.memory_space<semaphore_mem>>)
          %mul3A_238 = arith.constant 2 : i32
          %mul3A_239 = arith.muli %add3A_221, %mul3A_238 : i32
          %mul3A_240 = arith.constant 128 : i32
          %mul3A_241 = arith.muli %mul3A_239, %mul3A_240 : i32
          %add3A_242 = arith.constant 128 : i32
          %add3A_243 = arith.addi %mul3A_241, %add3A_242 : i32
          %dma_start3A_244 = arith.constant 0 : i32
          %dma_start3A_245 = arith.constant 1 : i32
          %dma_start3A_246 = arith.constant 0 : i32
          %dma_start3A_247 = arith.constant 0 : i32
          %dma_start3A_248 = tpu.memref_slice %arg6[%dma_start3A_244, %dma_start3A_245, %dma_start3A_246, %dma_start3A_247] : memref<3x2x128x64xf32, #tpu.memory_space<vmem>> -> memref<1x1x128x64xf32, #tpu.memory_space<vmem>>
          %dma_start3A_249 = tpu.memref_squeeze %dma_start3A_248 : memref<1x1x128x64xf32, #tpu.memory_space<vmem>> -> memref<128x64xf32, #tpu.memory_space<vmem>>
          %dma_start3A_250 = tpu.memref_slice %arg5[%add3A_243] : memref<25600xi32, #tpu.memory_space<vmem>> -> memref<128xi32, #tpu.memory_space<vmem>>
          %dma_start3A_251 = arith.constant 0 : i32
          %dma_start3A_252 = arith.constant 0 : i32
          %dma_start3A_253 = tpu.memref_slice %arg7[%dma_start3A_251, %dma_start3A_252] : memref<2016x64xf32, #tpu.memory_space<vmem_shared>> -> memref<2016x64xf32, #tpu.memory_space<vmem_shared>>
          tpu.enqueue_indirect_dma source(%dma_start3A_253 : memref<2016x64xf32, #tpu.memory_space<vmem_shared>>) target(%dma_start3A_249 : memref<128x64xf32, #tpu.memory_space<vmem>>) offsets(%dma_start3A_250 : memref<128xi32, #tpu.memory_space<vmem>>) semaphore(%arg9 : memref<!tpu.dma_semaphore, #tpu.memory_space<semaphore_mem>>)
        } else {
        }
      } else {
      }
      %jit3A_146 = arith.constant 3 : i32
      %eq3A_147 = arith.constant 0 : i32
      %eq3A_148 = arith.cmpi eq, %jit3A_146, %eq3A_147 : i32
      %jit3A_149 = arith.constant 1 : i32
      %select_n3A_150 = arith.select %eq3A_148, %jit3A_149, %jit3A_146 : i32
      %rem3A_151 = arith.remsi %scan3A_109, %select_n3A_150 : i32
      %ne3A_152 = arith.constant 0 : i32
      %ne3A_153 = arith.cmpi ne, %rem3A_151, %ne3A_152 : i32
      %lt3A_154 = arith.constant 0 : i32
      %lt3A_155 = arith.cmpi slt, %rem3A_151, %lt3A_154 : i32
      %lt3A_156 = arith.constant 0 : i32
      %lt3A_157 = arith.cmpi slt, %select_n3A_150, %lt3A_156 : i32
      %ne3A_158 = arith.xori %lt3A_155, %lt3A_157 : i1
      %and3A_159 = arith.andi %ne3A_158, %ne3A_153 : i1
      %add3A_160 = arith.addi %rem3A_151, %select_n3A_150 : i32
      %select_n3A_161 = arith.select %and3A_159, %add3A_160, %rem3A_151 : i32
      %eq3A_162 = arith.constant 2 : i32
      %eq3A_163 = arith.cmpi eq, %select_n3A_161, %eq3A_162 : i32
      %convert_element_type3A_164 = arith.extui %eq3A_163 : i1 to i32
      %cond3A_165 = arith.constant 0 : i32
      %cond3A_166 = arith.cmpi ne, %convert_element_type3A_164, %cond3A_165 : i32
      scf.if %cond3A_166 {
        %dma_wait3A_167 = arith.constant 2 : i32
        %dma_wait3A_168 = arith.constant 0 : i32
        %dma_wait3A_169 = arith.constant 0 : i32
        %dma_wait3A_170 = arith.constant 0 : i32
        %dma_wait3A_171 = tpu.memref_slice %arg6[%dma_wait3A_167, %dma_wait3A_168, %dma_wait3A_169, %dma_wait3A_170] : memref<3x2x128x64xf32, #tpu.memory_space<vmem>> -> memref<1x1x128x64xf32, #tpu.memory_space<vmem>>
        %dma_wait3A_172 = tpu.memref_squeeze %dma_wait3A_171 : memref<1x1x128x64xf32, #tpu.memory_space<vmem>> -> memref<128x64xf32, #tpu.memory_space<vmem>>
        %dma_wait3A_173 = arith.constant 0 : i32
        %dma_wait3A_174 = tpu.memref_slice %arg5[%dma_wait3A_173] : memref<25600xi32, #tpu.memory_space<vmem>> -> memref<128xi32, #tpu.memory_space<vmem>>
        %dma_wait3A_175 = arith.constant 0 : i32
        %dma_wait3A_176 = arith.constant 0 : i32
        %dma_wait3A_177 = tpu.memref_slice %arg7[%dma_wait3A_175, %dma_wait3A_176] : memref<2016x64xf32, #tpu.memory_space<vmem_shared>> -> memref<2016x64xf32, #tpu.memory_space<vmem_shared>>
        tpu.wait_indirect_dma semaphore(%arg11 : memref<!tpu.dma_semaphore, #tpu.memory_space<semaphore_mem>>) src(%dma_wait3A_177 : memref<2016x64xf32, #tpu.memory_space<vmem_shared>>) dst(%dma_wait3A_172 : memref<128x64xf32, #tpu.memory_space<vmem>>)
        %dma_wait3A_178 = arith.constant 2 : i32
        %dma_wait3A_179 = arith.constant 1 : i32
        %dma_wait3A_180 = arith.constant 0 : i32
        %dma_wait3A_181 = arith.constant 0 : i32
        %dma_wait3A_182 = tpu.memref_slice %arg6[%dma_wait3A_178, %dma_wait3A_179, %dma_wait3A_180, %dma_wait3A_181] : memref<3x2x128x64xf32, #tpu.memory_space<vmem>> -> memref<1x1x128x64xf32, #tpu.memory_space<vmem>>
        %dma_wait3A_183 = tpu.memref_squeeze %dma_wait3A_182 : memref<1x1x128x64xf32, #tpu.memory_space<vmem>> -> memref<128x64xf32, #tpu.memory_space<vmem>>
        %dma_wait3A_184 = arith.constant 0 : i32
        %dma_wait3A_185 = tpu.memref_slice %arg5[%dma_wait3A_184] : memref<25600xi32, #tpu.memory_space<vmem>> -> memref<128xi32, #tpu.memory_space<vmem>>
        %dma_wait3A_186 = arith.constant 0 : i32
        %dma_wait3A_187 = arith.constant 0 : i32
        %dma_wait3A_188 = tpu.memref_slice %arg7[%dma_wait3A_186, %dma_wait3A_187] : memref<2016x64xf32, #tpu.memory_space<vmem_shared>> -> memref<2016x64xf32, #tpu.memory_space<vmem_shared>>
        tpu.wait_indirect_dma semaphore(%arg11 : memref<!tpu.dma_semaphore, #tpu.memory_space<semaphore_mem>>) src(%dma_wait3A_188 : memref<2016x64xf32, #tpu.memory_space<vmem_shared>>) dst(%dma_wait3A_183 : memref<128x64xf32, #tpu.memory_space<vmem>>)
        %mul3A_189 = arith.constant 2 : i32
        %mul3A_190 = arith.muli %scan3A_109, %mul3A_189 : i32
        %add3A_191 = arith.addi %mul3A_4, %mul3A_190 : i32
        %dma_start3A_192 = arith.constant 2 : i32
        %dma_start3A_193 = arith.constant 0 : i32
        %dma_start3A_194 = arith.constant 0 : i32
        %dma_start3A_195 = arith.constant 0 : i32
        %dma_start3A_196 = tpu.memref_slice %arg6[%dma_start3A_192, %dma_start3A_193, %dma_start3A_194, %dma_start3A_195] : memref<3x2x128x64xf32, #tpu.memory_space<vmem>> -> memref<1x2x128x64xf32, #tpu.memory_space<vmem>>
        %dma_start3A_197 = tpu.memref_squeeze %dma_start3A_196 : memref<1x2x128x64xf32, #tpu.memory_space<vmem>> -> memref<2x128x64xf32, #tpu.memory_space<vmem>>
        %dma_start3A_198 = arith.constant 0 : i32
        %dma_start3A_199 = arith.constant 0 : i32
        %dma_start3A_200 = tpu.memref_slice %arg4[%add3A_191, %dma_start3A_198, %dma_start3A_199] : memref<6400x128x64xf32, #tpu.memory_space<hbm>> -> memref<2x128x64xf32, #tpu.memory_space<hbm>>
        %dma_start3A_201 = arith.constant 0 : i32
        %dma_start3A_202 = arith.constant 0 : i32
        %dma_start3A_203 = tpu.memref_slice %arg4[%add3A_191, %dma_start3A_201, %dma_start3A_202] : memref<6400x128x64xf32, #tpu.memory_space<hbm>> -> memref<2x128x64xf32, #tpu.memory_space<hbm>>
        %dma_start3A_204 = arith.constant 0 : i32
        %dma_start3A_205 = arith.constant 0 : i32
        %dma_start3A_206 = arith.constant 0 : i32
        %dma_start3A_207 = tpu.memref_slice %arg6[%dma_start3A_192, %dma_start3A_204, %dma_start3A_205, %dma_start3A_206] : memref<3x2x128x64xf32, #tpu.memory_space<vmem>> -> memref<1x2x128x64xf32, #tpu.memory_space<vmem>>
        %dma_start3A_208 = tpu.memref_squeeze %dma_start3A_207 : memref<1x2x128x64xf32, #tpu.memory_space<vmem>> -> memref<2x128x64xf32, #tpu.memory_space<vmem>>
        tpu.enqueue_dma source(%dma_start3A_208 : memref<2x128x64xf32, #tpu.memory_space<vmem>>) target(%dma_start3A_203 : memref<2x128x64xf32, #tpu.memory_space<hbm>>) target_semaphore(%arg14 : memref<!tpu.dma_semaphore, #tpu.memory_space<semaphore_mem>>)
        %add3A_209 = arith.constant 2 : i32
        %add3A_210 = arith.addi %scan3A_109, %add3A_209 : i32
        %lt3A_211 = arith.constant 100 : i32
        %lt3A_212 = arith.cmpi slt, %add3A_210, %lt3A_211 : i32
        %convert_element_type3A_213 = arith.extui %lt3A_212 : i1 to i32
        %cond3A_214 = arith.constant 0 : i32
        %cond3A_215 = arith.cmpi ne, %convert_element_type3A_213, %cond3A_214 : i32
        scf.if %cond3A_215 {
          %ge3A = arith.constant 1 : i32
          %ge3A_216 = arith.cmpi sge, %scan3A_109, %ge3A : i32
          %convert_element_type3A_217 = arith.extui %ge3A_216 : i1 to i32
          %cond3A_218 = arith.constant 0 : i32
          %cond3A_219 = arith.cmpi ne, %convert_element_type3A_217, %cond3A_218 : i32
          scf.if %cond3A_219 {
            %dma_wait3A_254 = arith.constant 1 : i32
            %dma_wait3A_255 = arith.constant 0 : i32
            %dma_wait3A_256 = arith.constant 0 : i32
            %dma_wait3A_257 = arith.constant 0 : i32
            %dma_wait3A_258 = tpu.memref_slice %arg6[%dma_wait3A_254, %dma_wait3A_255, %dma_wait3A_256, %dma_wait3A_257] : memref<3x2x128x64xf32, #tpu.memory_space<vmem>> -> memref<1x2x128x64xf32, #tpu.memory_space<vmem>>
            %dma_wait3A_259 = tpu.memref_squeeze %dma_wait3A_258 : memref<1x2x128x64xf32, #tpu.memory_space<vmem>> -> memref<2x128x64xf32, #tpu.memory_space<vmem>>
            %dma_wait3A_260 = arith.constant 0 : i32
            %dma_wait3A_261 = arith.constant 0 : i32
            %dma_wait3A_262 = tpu.memref_slice %arg4[%mul3A_4, %dma_wait3A_260, %dma_wait3A_261] : memref<6400x128x64xf32, #tpu.memory_space<hbm>> -> memref<2x128x64xf32, #tpu.memory_space<hbm>>
            %dma_wait3A_263 = arith.constant 0 : i32
            %dma_wait3A_264 = arith.constant 0 : i32
            %dma_wait3A_265 = tpu.memref_slice %arg4[%mul3A_4, %dma_wait3A_263, %dma_wait3A_264] : memref<6400x128x64xf32, #tpu.memory_space<hbm>> -> memref<2x128x64xf32, #tpu.memory_space<hbm>>
            %dma_wait3A_266 = arith.constant 0 : i32
            %dma_wait3A_267 = arith.constant 0 : i32
            %dma_wait3A_268 = arith.constant 0 : i32
            %dma_wait3A_269 = tpu.memref_slice %arg6[%dma_wait3A_254, %dma_wait3A_266, %dma_wait3A_267, %dma_wait3A_268] : memref<3x2x128x64xf32, #tpu.memory_space<vmem>> -> memref<1x2x128x64xf32, #tpu.memory_space<vmem>>
            %dma_wait3A_270 = tpu.memref_squeeze %dma_wait3A_269 : memref<1x2x128x64xf32, #tpu.memory_space<vmem>> -> memref<2x128x64xf32, #tpu.memory_space<vmem>>
            tpu.wait_dma2 semaphore(%arg13 : memref<!tpu.dma_semaphore, #tpu.memory_space<semaphore_mem>>) src(%dma_wait3A_270 : memref<2x128x64xf32, #tpu.memory_space<vmem>>) dst(%dma_wait3A_265 : memref<2x128x64xf32, #tpu.memory_space<hbm>>)
          } else {
          }
          %add3A_220 = arith.constant 2 : i32
          %add3A_221 = arith.addi %scan3A_109, %add3A_220 : i32
          %mul3A_222 = arith.constant 2 : i32
          %mul3A_223 = arith.muli %add3A_221, %mul3A_222 : i32
          %mul3A_224 = arith.constant 128 : i32
          %mul3A_225 = arith.muli %mul3A_223, %mul3A_224 : i32
          %add3A_226 = arith.constant 0 : i32
          %add3A_227 = arith.addi %mul3A_225, %add3A_226 : i32
          %dma_start3A_228 = arith.constant 1 : i32
          %dma_start3A_229 = arith.constant 0 : i32
          %dma_start3A_230 = arith.constant 0 : i32
          %dma_start3A_231 = arith.constant 0 : i32
          %dma_start3A_232 = tpu.memref_slice %arg6[%dma_start3A_228, %dma_start3A_229, %dma_start3A_230, %dma_start3A_231] : memref<3x2x128x64xf32, #tpu.memory_space<vmem>> -> memref<1x1x128x64xf32, #tpu.memory_space<vmem>>
          %dma_start3A_233 = tpu.memref_squeeze %dma_start3A_232 : memref<1x1x128x64xf32, #tpu.memory_space<vmem>> -> memref<128x64xf32, #tpu.memory_space<vmem>>
          %dma_start3A_234 = tpu.memref_slice %arg5[%add3A_227] : memref<25600xi32, #tpu.memory_space<vmem>> -> memref<128xi32, #tpu.memory_space<vmem>>
          %dma_start3A_235 = arith.constant 0 : i32
          %dma_start3A_236 = arith.constant 0 : i32
          %dma_start3A_237 = tpu.memref_slice %arg7[%dma_start3A_235, %dma_start3A_236] : memref<2016x64xf32, #tpu.memory_space<vmem_shared>> -> memref<2016x64xf32, #tpu.memory_space<vmem_shared>>
          tpu.enqueue_indirect_dma source(%dma_start3A_237 : memref<2016x64xf32, #tpu.memory_space<vmem_shared>>) target(%dma_start3A_233 : memref<128x64xf32, #tpu.memory_space<vmem>>) offsets(%dma_start3A_234 : memref<128xi32, #tpu.memory_space<vmem>>) semaphore(%arg10 : memref<!tpu.dma_semaphore, #tpu.memory_space<semaphore_mem>>)
          %mul3A_238 = arith.constant 2 : i32
          %mul3A_239 = arith.muli %add3A_221, %mul3A_238 : i32
          %mul3A_240 = arith.constant 128 : i32
          %mul3A_241 = arith.muli %mul3A_239, %mul3A_240 : i32
          %add3A_242 = arith.constant 128 : i32
          %add3A_243 = arith.addi %mul3A_241, %add3A_242 : i32
          %dma_start3A_244 = arith.constant 1 : i32
          %dma_start3A_245 = arith.constant 1 : i32
          %dma_start3A_246 = arith.constant 0 : i32
          %dma_start3A_247 = arith.constant 0 : i32
          %dma_start3A_248 = tpu.memref_slice %arg6[%dma_start3A_244, %dma_start3A_245, %dma_start3A_246, %dma_start3A_247] : memref<3x2x128x64xf32, #tpu.memory_space<vmem>> -> memref<1x1x128x64xf32, #tpu.memory_space<vmem>>
          %dma_start3A_249 = tpu.memref_squeeze %dma_start3A_248 : memref<1x1x128x64xf32, #tpu.memory_space<vmem>> -> memref<128x64xf32, #tpu.memory_space<vmem>>
          %dma_start3A_250 = tpu.memref_slice %arg5[%add3A_243] : memref<25600xi32, #tpu.memory_space<vmem>> -> memref<128xi32, #tpu.memory_space<vmem>>
          %dma_start3A_251 = arith.constant 0 : i32
          %dma_start3A_252 = arith.constant 0 : i32
          %dma_start3A_253 = tpu.memref_slice %arg7[%dma_start3A_251, %dma_start3A_252] : memref<2016x64xf32, #tpu.memory_space<vmem_shared>> -> memref<2016x64xf32, #tpu.memory_space<vmem_shared>>
          tpu.enqueue_indirect_dma source(%dma_start3A_253 : memref<2016x64xf32, #tpu.memory_space<vmem_shared>>) target(%dma_start3A_249 : memref<128x64xf32, #tpu.memory_space<vmem>>) offsets(%dma_start3A_250 : memref<128xi32, #tpu.memory_space<vmem>>) semaphore(%arg10 : memref<!tpu.dma_semaphore, #tpu.memory_space<semaphore_mem>>)
        } else {
        }
      } else {
      }
    }
    %scan3A_57 = arith.constant 100 : i32
    %dma_wait3A_58 = arith.constant 0 : i32
    %dma_wait3A_59 = arith.constant 0 : i32
    %dma_wait3A_60 = arith.constant 0 : i32
    %dma_wait3A_61 = arith.constant 0 : i32
    %dma_wait3A_62 = tpu.memref_slice %arg6[%dma_wait3A_58, %dma_wait3A_59, %dma_wait3A_60, %dma_wait3A_61] : memref<3x2x128x64xf32, #tpu.memory_space<vmem>> -> memref<1x2x128x64xf32, #tpu.memory_space<vmem>>
    %dma_wait3A_63 = tpu.memref_squeeze %dma_wait3A_62 : memref<1x2x128x64xf32, #tpu.memory_space<vmem>> -> memref<2x128x64xf32, #tpu.memory_space<vmem>>
    %dma_wait3A_64 = arith.constant 0 : i32
    %dma_wait3A_65 = arith.constant 0 : i32
    %dma_wait3A_66 = tpu.memref_slice %arg4[%mul3A_4, %dma_wait3A_64, %dma_wait3A_65] : memref<6400x128x64xf32, #tpu.memory_space<hbm>> -> memref<2x128x64xf32, #tpu.memory_space<hbm>>
    %dma_wait3A_67 = arith.constant 0 : i32
    %dma_wait3A_68 = arith.constant 0 : i32
    %dma_wait3A_69 = tpu.memref_slice %arg4[%mul3A_4, %dma_wait3A_67, %dma_wait3A_68] : memref<6400x128x64xf32, #tpu.memory_space<hbm>> -> memref<2x128x64xf32, #tpu.memory_space<hbm>>
    %dma_wait3A_70 = arith.constant 0 : i32
    %dma_wait3A_71 = arith.constant 0 : i32
    %dma_wait3A_72 = arith.constant 0 : i32
    %dma_wait3A_73 = tpu.memref_slice %arg6[%dma_wait3A_58, %dma_wait3A_70, %dma_wait3A_71, %dma_wait3A_72] : memref<3x2x128x64xf32, #tpu.memory_space<vmem>> -> memref<1x2x128x64xf32, #tpu.memory_space<vmem>>
    %dma_wait3A_74 = tpu.memref_squeeze %dma_wait3A_73 : memref<1x2x128x64xf32, #tpu.memory_space<vmem>> -> memref<2x128x64xf32, #tpu.memory_space<vmem>>
    tpu.wait_dma2 semaphore(%arg12 : memref<!tpu.dma_semaphore, #tpu.memory_space<semaphore_mem>>) src(%dma_wait3A_74 : memref<2x128x64xf32, #tpu.memory_space<vmem>>) dst(%dma_wait3A_69 : memref<2x128x64xf32, #tpu.memory_space<hbm>>)
    %dma_wait3A_75 = arith.constant 1 : i32
    %dma_wait3A_76 = arith.constant 0 : i32
    %dma_wait3A_77 = arith.constant 0 : i32
    %dma_wait3A_78 = arith.constant 0 : i32
    %dma_wait3A_79 = tpu.memref_slice %arg6[%dma_wait3A_75, %dma_wait3A_76, %dma_wait3A_77, %dma_wait3A_78] : memref<3x2x128x64xf32, #tpu.memory_space<vmem>> -> memref<1x2x128x64xf32, #tpu.memory_space<vmem>>
    %dma_wait3A_80 = tpu.memref_squeeze %dma_wait3A_79 : memref<1x2x128x64xf32, #tpu.memory_space<vmem>> -> memref<2x128x64xf32, #tpu.memory_space<vmem>>
    %dma_wait3A_81 = arith.constant 0 : i32
    %dma_wait3A_82 = arith.constant 0 : i32
    %dma_wait3A_83 = tpu.memref_slice %arg4[%mul3A_4, %dma_wait3A_81, %dma_wait3A_82] : memref<6400x128x64xf32, #tpu.memory_space<hbm>> -> memref<2x128x64xf32, #tpu.memory_space<hbm>>
    %dma_wait3A_84 = arith.constant 0 : i32
    %dma_wait3A_85 = arith.constant 0 : i32
    %dma_wait3A_86 = tpu.memref_slice %arg4[%mul3A_4, %dma_wait3A_84, %dma_wait3A_85] : memref<6400x128x64xf32, #tpu.memory_space<hbm>> -> memref<2x128x64xf32, #tpu.memory_space<hbm>>
    %dma_wait3A_87 = arith.constant 0 : i32
    %dma_wait3A_88 = arith.constant 0 : i32
    %dma_wait3A_89 = arith.constant 0 : i32
    %dma_wait3A_90 = tpu.memref_slice %arg6[%dma_wait3A_75, %dma_wait3A_87, %dma_wait3A_88, %dma_wait3A_89] : memref<3x2x128x64xf32, #tpu.memory_space<vmem>> -> memref<1x2x128x64xf32, #tpu.memory_space<vmem>>
    %dma_wait3A_91 = tpu.memref_squeeze %dma_wait3A_90 : memref<1x2x128x64xf32, #tpu.memory_space<vmem>> -> memref<2x128x64xf32, #tpu.memory_space<vmem>>
    tpu.wait_dma2 semaphore(%arg13 : memref<!tpu.dma_semaphore, #tpu.memory_space<semaphore_mem>>) src(%dma_wait3A_91 : memref<2x128x64xf32, #tpu.memory_space<vmem>>) dst(%dma_wait3A_86 : memref<2x128x64xf32, #tpu.memory_space<hbm>>)
    %dma_wait3A_92 = arith.constant 2 : i32
    %dma_wait3A_93 = arith.constant 0 : i32
    %dma_wait3A_94 = arith.constant 0 : i32
    %dma_wait3A_95 = arith.constant 0 : i32
    %dma_wait3A_96 = tpu.memref_slice %arg6[%dma_wait3A_92, %dma_wait3A_93, %dma_wait3A_94, %dma_wait3A_95] : memref<3x2x128x64xf32, #tpu.memory_space<vmem>> -> memref<1x2x128x64xf32, #tpu.memory_space<vmem>>
    %dma_wait3A_97 = tpu.memref_squeeze %dma_wait3A_96 : memref<1x2x128x64xf32, #tpu.memory_space<vmem>> -> memref<2x128x64xf32, #tpu.memory_space<vmem>>
    %dma_wait3A_98 = arith.constant 0 : i32
    %dma_wait3A_99 = arith.constant 0 : i32
    %dma_wait3A_100 = tpu.memref_slice %arg4[%mul3A_4, %dma_wait3A_98, %dma_wait3A_99] : memref<6400x128x64xf32, #tpu.memory_space<hbm>> -> memref<2x128x64xf32, #tpu.memory_space<hbm>>
    %dma_wait3A_101 = arith.constant 0 : i32
    %dma_wait3A_102 = arith.constant 0 : i32
    %dma_wait3A_103 = tpu.memref_slice %arg4[%mul3A_4, %dma_wait3A_101, %dma_wait3A_102] : memref<6400x128x64xf32, #tpu.memory_space<hbm>> -> memref<2x128x64xf32, #tpu.memory_space<hbm>>
    %dma_wait3A_104 = arith.constant 0 : i32
    %dma_wait3A_105 = arith.constant 0 : i32
    %dma_wait3A_106 = arith.constant 0 : i32
    %dma_wait3A_107 = tpu.memref_slice %arg6[%dma_wait3A_92, %dma_wait3A_104, %dma_wait3A_105, %dma_wait3A_106] : memref<3x2x128x64xf32, #tpu.memory_space<vmem>> -> memref<1x2x128x64xf32, #tpu.memory_space<vmem>>
    %dma_wait3A_108 = tpu.memref_squeeze %dma_wait3A_107 : memref<1x2x128x64xf32, #tpu.memory_space<vmem>> -> memref<2x128x64xf32, #tpu.memory_space<vmem>>
    tpu.wait_dma2 semaphore(%arg14 : memref<!tpu.dma_semaphore, #tpu.memory_space<semaphore_mem>>) src(%dma_wait3A_108 : memref<2x128x64xf32, #tpu.memory_space<vmem>>) dst(%dma_wait3A_103 : memref<2x128x64xf32, #tpu.memory_space<hbm>>)
    return
  }
}

module attributes {stable_mosaic.version = 14 : i64} {
  func.func @_prep_body(%arg0: memref<2016x64xf32, #tpu.memory_space<vmem>>, %arg1: memref<64x64xf32, #tpu.memory_space<vmem>>, %arg2: memref<1x64xf32, #tpu.memory_space<vmem>>, %arg3: memref<4096x200xi32, #tpu.memory_space<vmem>>, %arg4: memref<4096x200xi32, #tpu.memory_space<vmem>>, %arg5: memref<2016x64xf32, #tpu.memory_space<vmem>>, %arg6: memref<4096x200xi32, #tpu.memory_space<vmem>>) attributes {dimension_semantics = [], scalar_prefetch = 0 : i64, scratch_operands = 0 : i64, tpu.core_type = #tpu.core_type<tc>} {
    %get3A = arith.constant 0 : index
    %get3A_0 = arith.constant 0 : index
    %get3A_1 = vector.load %arg0[%get3A, %get3A_0] : memref<2016x64xf32, #tpu.memory_space<vmem>>, vector<2016x64xf32>
    %get3A_2 = arith.constant 0 : index
    %get3A_3 = arith.constant 0 : index
    %get3A_4 = vector.load %arg1[%get3A_2, %get3A_3] : memref<64x64xf32, #tpu.memory_space<vmem>>, vector<64x64xf32>
    %dot_general3A = arith.constant dense<0.000000e+00> : vector<2016x64xf32>
    %dot_general3A_5 = tpu.matmul %get3A_1, %get3A_4, %dot_general3A {dimension_numbers = #tpu.dot_dimension_numbers<[1], [1], [0], [0], [0, 0, 1, 0], [], []>, transpose_lhs_hint = false} : vector<2016x64xf32>, vector<64x64xf32>, vector<2016x64xf32> -> vector<2016x64xf32>
    %get3A_6 = arith.constant 0 : index
    %get3A_7 = arith.constant 0 : index
    %get3A_8 = vector.load %arg2[%get3A_6, %get3A_7] : memref<1x64xf32, #tpu.memory_space<vmem>>, vector<1x64xf32>
    %add3A = vector.broadcast %get3A_8 : vector<1x64xf32> to vector<2016x64xf32>
    %add3A_9 = arith.addf %dot_general3A_5, %add3A : vector<2016x64xf32>
    %slice3A = vector.extract_strided_slice %add3A_9 {offsets = [0, 1], sizes = [2016, 63], strides = [1, 1]} : vector<2016x64xf32> to vector<2016x63xf32>
    %slice3A_10 = vector.extract_strided_slice %add3A_9 {offsets = [0, 0], sizes = [2016, 1], strides = [1, 1]} : vector<2016x64xf32> to vector<2016x1xf32>
    %sin3A = math.sin %slice3A_10 : vector<2016x1xf32>
    %concatenate3A = tpu.concatenate %slice3A, %sin3A in 1 : vector<2016x63xf32>, vector<2016x1xf32> -> vector<2016x64xf32>
    %swap3A = arith.constant 0 : index
    %swap3A_11 = arith.constant 0 : index
    %swap3A_12 = vector.load %arg5[%swap3A, %swap3A_11] : memref<2016x64xf32, #tpu.memory_space<vmem>>, vector<2016x64xf32>
    tpu.vector_store %arg5[%swap3A, %swap3A_11], %concatenate3A {strides = array<i32>} : memref<2016x64xf32, #tpu.memory_space<vmem>>, vector<2016x64xf32>,
    %get3A_13 = arith.constant 0 : index
    %get3A_14 = arith.constant 0 : index
    %get3A_15 = vector.load %arg3[%get3A_13, %get3A_14] : memref<4096x200xi32, #tpu.memory_space<vmem>>, vector<4096x200xi32>
    %mul3A = arith.constant 7 : i32
    %mul3A_16 = vector.broadcast %mul3A : i32 to vector<4096x200xi32>
    %mul3A_17 = arith.muli %get3A_15, %mul3A_16 : vector<4096x200xi32>
    %get3A_18 = arith.constant 0 : index
    %get3A_19 = arith.constant 0 : index
    %get3A_20 = vector.load %arg4[%get3A_18, %get3A_19] : memref<4096x200xi32, #tpu.memory_space<vmem>>, vector<4096x200xi32>
    %add3A_21 = arith.addi %mul3A_17, %get3A_20 : vector<4096x200xi32>
    %swap3A_22 = arith.constant 0 : index
    %swap3A_23 = arith.constant 0 : index
    %swap3A_24 = vector.load %arg6[%swap3A_22, %swap3A_23] : memref<4096x200xi32, #tpu.memory_space<vmem>>, vector<4096x200xi32>
    tpu.vector_store %arg6[%swap3A_22, %swap3A_23], %add3A_21 {strides = array<i32>} : memref<4096x200xi32, #tpu.memory_space<vmem>>, vector<4096x200xi32>,
    return
  }
}

</mosaic_0001>

<sc_bundles>
// kernel: kernel.4.cloned.1.call-start
scs
__scs_entry_jumppad:
0x0: {  	(pc) =	sbr.rel $0x88, $3  }
0x1: {  	(tag) =	ssettag $0x0;
	lr =	simm.s32 $0x1  }
0x2: {  	[smem:$0x3F9C] =	sst lr;
	_ =	strace $0xD0000000  }
0x3: {  	_ = 	snop  }
0x4: {  	_ = 	snop  }
0x5: {  	_ = 	snop  }
0x6: {  	_ = 	snop  }
0x7: {  	_ = 	snop  }
__scs_overlays_trampoline_lowered:
0x8: {  	[smem:$0x3FAB] =	sst s0  }
0x9: {  	[smem:$0x3FAC] =	sst s1  }
0xa: {  	[smem:$0x3FAD] =	sst s2  }
0xb: {  	[smem:$0x3FAE] =	sst s3  }
0xc: {  	[smem:$0x3FAF] =	sst s4  }
0xd: {  	[smem:$0x3FB0] =	sst s5  }
0xe: {  	[smem:$0x3FB1] =	sst s6  }
0xf: {  	[smem:$0x3FB2] =	sst s7  }
0x10: {  	[smem:$0x3FB3] =	sst s8  }
0x11: {  	[smem:$0x3FB4] =	sst s9;
	s0 =	simm.s32 @!p0 $0x0  }
0x12: {  	s1 =	sld [smem:$0x3F9A];
	s0 =	simm.s32 @p0 $0x1  }
0x13: {  	[smem:$0x3FB5] =	sst s0;
	s0 =	simm.s32 @!p1 $0x0  }
0x14: {  	s2 =	sld [smem:$0x3F99];
	s0 =	simm.s32 @p1 $0x1  }
0x15: {  	[smem:$0x3FB6] =	sst s0;
	s0 =	simm.s32 @!p2 $0x0  }
0x16: {  	s3 =	sld [smem:$0x3FDB];
	s0 =	simm.s32 @p2 $0x1  }
0x17: {  	s4 =	simm.s32 $0x1BF5;
	[smem:$0x3FB8] =	sst s0  }
0x18: {  	s0 =	sld [smem:$0x3F9B];
	_ =	swait.ge [sflag:s4], $0x0  }
0x19: {  	s7 =	sld [smem:$0x3F9C]  }
0x1a: {  	s8 =	sadd.s32 $0xFFFFE003, lr  }
0x1b: {  	s9 =	sadd.s32 $0xFFFFFEF7, lr;
	s5 =	simm.s32 $0xFFFFFFFF;
	p2 =	slt.u32 s8, $0xFFFFF086  }
0x1c: {  	p1 =	slt.u32 s9, $0xF7A;
	s5 =	simm.s32 @!p2 $0x0  }
0x1d: {  	s5 =	simm.s32 @p1 $0x1;
	p0 =	seq.s32 s7, s2  }
0x1e: {  	s7 =	smul.u32 @!p0 $0xF7A, s2;
	p2 =	seq.s32 @!p0 s5, $0x0  }
0x1f: {  	s9 =	smul.u32 $0xF7A, s1;
	s8 =	simm.s32 @!p0 $0x1BF5;
	p2 =	por !p2, p0  }
0x20: {  	[sflag:s8] =	ssyncset.s32 @!p0 $0xFFFFF086;
	s6 =	sadd.s32 @!p0 s3, s7;
	s7 =	simm.s32 @!p0 $0x108  }
0x21: {  	s3 =	sadd.s32 s3, s9;
	s6 =	sadd.s32 @!p0 $0x88, s6;
	s7 =	simm.s32 @p2 $0x1082  }
0x22: {  	[simem:s7], [sflag:s8] =	dma.local @!p0 [hbm:s6], $0xF7A  }
0x23: {  	s9 =	sor.u32 $0xD0000000, s2;
	s6 =	simm.s32 $0x108;
	_ =	swait.ge @!p0 [sflag:s8], $0x0  }
0x24: {  	s3 =	sadd.s32 $0x88, s3;
	s6 =	simm.s32 @!p1 $0x1082;
	[sflag:s4] =	ssyncset.s32 $0xFFFFF086  }
0x25: {  	[simem:s6], [sflag:s4] =	dma.local [hbm:s3], $0xF7A  }
0x26: {  	[smem:$0x3F9C] =	sst s1;
	(tag) =	ssettag s2;
	_ =	strace s9  }
0x27: {  	s1 =	sld [smem:$0x3FAC]  }
0x28: {  	s2 =	sld [smem:$0x3FAD]  }
0x29: {  	s4 =	sld [smem:$0x3FAF]  }
0x2a: {  	p0 =	seq.s32 s5, $0x0;
	s5 =	sld [smem:$0x3FB0]  }
0x2b: {  	s6 =	sld [smem:$0x3FB1]  }
0x2c: {  	s7 =	sld [smem:$0x3FB2]  }
0x2d: {  	s3 =	simm.s32 $0x108;
	s8 =	sld [smem:$0x3FB3]  }
0x2e: {  	s3 =	simm.s32 @!p0 $0x1082;
	s9 =	sld [smem:$0x3FB4]  }
0x2f: {  	lr =	sadd.s32 s0, s3;
	s0 =	sld [smem:$0x3FAB]  }
0x30: {  	s3 =	sld [smem:$0x3FAE]  }
0x31: {  	[smem:$0x3FB7] =	sst s10  }
0x32: {  	s10 =	sld [smem:$0x3FB5];
	_ =	sdelay $0x3  }
0x33: {  	p0 =	seq.s32 s10, $0x1;
	s10 =	sld [smem:$0x3FB7];
	_ =	sdelay $0x3  }
0x34: {  	[smem:$0x3FB7] =	sst s10  }
0x35: {  	s10 =	sld [smem:$0x3FB6];
	_ =	sdelay $0x3  }
0x36: {  	p1 =	seq.s32 s10, $0x1;
	s10 =	sld [smem:$0x3FB7];
	_ =	sdelay $0x3  }
0x37: {  	[smem:$0x3FB7] =	sst s10  }
0x38: {  	s10 =	sld [smem:$0x3FB8]  }
0x39: {  	_ = 	snop;
	(pc) =	sbr.ind lr, $3  }
0x3a: {  	_ = 	snop  }
0x3b: {  	_ = 	snop  }
0x3c: {  	p2 =	seq.s32 s10, $0x1;
	s10 =	sld [smem:$0x3FB7]  }
0x3d: {  	_ =	shalt  }
0x3e: {  	_ =	shalt  }
0x3f: {  	_ =	shalt  }
0x40: {  	_ =	shalt  }
0x41: {  	_ =	shalt  }
0x42: {  	_ =	shalt  }
0x43: {  	_ =	shalt  }
0x44: {  	_ =	shalt  }
0x45: {  	_ =	shalt  }
0x46: {  	_ =	shalt  }
0x47: {  	_ =	shalt  }
0x48: {  	_ =	shalt  }
0x49: {  	_ =	shalt  }
0x4a: {  	_ =	shalt  }
0x4b: {  	_ =	shalt  }
0x4c: {  	_ =	shalt  }
0x4d: {  	_ =	shalt  }
0x4e: {  	_ =	shalt  }
0x4f: {  	_ =	shalt  }
0x50: {  	_ =	shalt  }
0x51: {  	_ =	shalt  }
0x52: {  	_ =	shalt  }
0x53: {  	_ =	shalt  }
0x54: {  	_ =	shalt  }
0x55: {  	_ =	shalt  }
0x56: {  	_ =	shalt  }
0x57: {  	_ =	shalt  }
0x58: {  	_ =	shalt  }
0x59: {  	_ =	shalt  }
0x5a: {  	_ =	shalt  }
0x5b: {  	_ =	shalt  }
0x5c: {  	_ =	shalt  }
0x5d: {  	_ =	shalt  }
0x5e: {  	_ =	shalt  }
0x5f: {  	_ =	shalt  }
0x60: {  	_ =	shalt  }
0x61: {  	_ =	shalt  }
0x62: {  	_ =	shalt  }
0x63: {  	_ =	shalt  }
0x64: {  	_ =	shalt  }
0x65: {  	_ =	shalt  }
0x66: {  	_ =	shalt  }
0x67: {  	_ =	shalt  }
0x68: {  	_ =	shalt  }
0x69: {  	_ =	shalt  }
0x6a: {  	_ =	shalt  }
0x6b: {  	_ =	shalt  }
0x6c: {  	_ =	shalt  }
0x6d: {  	_ =	shalt  }
0x6e: {  	_ =	shalt  }
0x6f: {  	_ =	shalt  }
0x70: {  	_ =	shalt  }
0x71: {  	_ =	shalt  }
0x72: {  	_ =	shalt  }
0x73: {  	_ =	shalt  }
0x74: {  	_ =	shalt  }
0x75: {  	_ =	shalt  }
0x76: {  	_ =	shalt  }
0x77: {  	_ =	shalt  }
0x78: {  	_ =	shalt  }
0x79: {  	_ =	shalt  }
0x7a: {  	_ =	shalt  }
0x7b: {  	_ =	shalt  }
0x7c: {  	_ =	shalt  }
0x7d: {  	_ =	shalt  }
0x7e: {  	_ =	shalt  }
0x7f: {  	_ =	shalt  }
0x80: {  	_ =	shalt  }
0x81: {  	_ =	shalt  }
0x82: {  	_ =	shalt  }
0x83: {  	_ =	shalt  }
0x84: {  	_ =	shalt  }
0x85: {  	_ =	shalt  }
0x86: {  	_ =	shalt  }
0x87: {  	_ =	shalt  }
.Lfunc_end0:
.L_simem_size_0:
called_computation.1_lowered:
.L_overlay_start_0:
0x88: {  	s2 =	sld [smem:$0x3FD9]  }
0x89: {  	s3 =	sld [smem:$0x3FFE];
	_ =	sdelay $0x1  }
0x8a: {  	s1 =	srdreg.scid  }
0x8b: {  	s0 =	sand.u32 $0x1, s1  }
0x8c: {  	s17 =	sshll.u32 s0, $0xA;
	s2 =	sadd.s32 s3, s2  }
0x8d: {  	s2 =	sadd.s32 s2, s17  }
0x8e: {  	[smem:$0x3FC3] =	sst s2  }
0x8f: {  	_ = 	snop  }
0x90: {  	s2 =	sld [smem:$0x3FD0];
	(tm) =	ssettm $0x1  }
0x91: {  	s18 =	sld [smem:$0x3FFB];
	_ =	sdelay $0x3  }
0x92: {  	_ =	strace s18  }
0x93: {  	s3 =	sld [smem:$0x3FFC];
	_ =	sdelay $0x3  }
0x94: {  	_ =	strace s3  }
0x95: {  	s3 =	sld [smem:$0x3FFD];
	_ =	sdelay $0x3  }
0x96: {  	_ =	strace s3  }
0x97: {  	_ =	strace $0x8FFFFFFF  }
0x98: {  	s19 =	sld [smem:$0x3FDB];
	_ =	sdelay $0x1  }
0x99: {  	s4 =	simm.s32 $_scs_section_size  }
0x9a: {  	s5 =	simm.s32 $_size__tile_overlayer_lowered;
	s6 =	simm.s32 $_tile_overlayer_lowered  }
0x9b: {  	s22 =	simm.s32 $0x1BFF;
	s21 =	sshll.u32 s6, $0x1;
	s3 =	sadd.s32 s4, s19  }
0x9c: {  	s7 =	simm.s32 $0x0;
	s20 =	sshll.u32 s5, $0x1;
	s5 =	sadd.s32 s21, s3  }
0x9d: {  	[timem:s7], [sflag:s22] =	dma.local [hbm:s5], s20  }
0x9e: {  	_ =	swait.ge [sflag:s22], s20  }
0x9f: {  	s4 =	ssub.s32 $0x0, s20;
	[sflag:s22] =	ssyncset.done $0x0  }
0xa0: {  	[sflag:s22] =	ssyncadd.s32 s4;
	_ =	sdelay $0x1  }
0xa1: {  	s23 =	simm.s32 $0x1B8B  }
0xa2: {  	_ =	swait.ge [sflag:s23], $0x1  }
0xa3: {  	[sflag:s23] =	ssyncset.done $0x0  }
0xa4: {  	s25 =	simm.s32 $0x1B8E;
	s24 =	sld [smem:$0x3FFE];
	[sflag:s23] =	ssyncadd.s32 $0xFFFFFFFF  }
0xa5: {  	s26 =	simm.s32 $execute0_lowered;
	[smem:$0x3FD2] =	sst s25  }
0xa6: {  	s5 =	sshll.u32 s26, $0x1;
	_ =	strace $0x80000046;
	[dreg:$0x1] =	wrdreg $0xFFFFFFFF  }
0xa7: {  	s28 =	simm.s32 $_size_execute0_lowered;
	s3 =	sadd.s32 s3, s5;
	[dreg:$0x0] =	wrdreg $0x0  }
0xa8: {  	s5 =	sshll.u32 s28, $0x1;
	[dreg:$0x2] =	wrdreg s3  }
0xa9: {  	[dreg:$0x3] =	wrdreg s5  }
0xaa: {  	[dreg:$0x4] =	wrdreg $0xC0  }
0xab: {  	_ =	task [dreg:s7], $0x5FFFF  }
0xac: {  	[dreg:$0x1] =	wrdreg $0xFFFFFFFF  }
0xad: {  	[dreg:$0x0] =	wrdreg $0x60  }
0xae: {  	[dreg:$0x2] =	wrdreg s24  }
0xaf: {  	[dreg:$0x3] =	wrdreg s2  }
0xb0: {  	[dreg:$0x4] =	wrdreg $0x124000  }
0xb1: {  	[dreg:$0x5] =	wrdreg $0x9  }
0xb2: {  	_ =	task.clear_ibuf [dreg:s7], $0x6FFFF;
	_ =	strace $0x90000046  }
0xb3: {  	s29 =	simm.s32 $0x9;
	_ =	strace $0x80000048  }
0xb4: {  	_ =	swait.ge [sflag:s29], $0x1  }
0xb5: {  	[sflag:s29] =	ssyncadd.s32 $0xFFFFFFFF  }
0xb6: {  	_ =	strace $0x90000048  }
0xb7: {  	_ =	sfence  }
0xb8: {  	s30 =	sld [smem:$0x0];
	_ =	sdelay $0x2  }
0xb9: {  	s31 =	sshll.u32 s1, $0xD;
	s1 =	sshrl.u32 s1, $0x2  }
0xba: {  	s3 =	sand.u32 $0x4000, s31;
	s1 =	sadd.s32 s1, s30  }
0xbb: {  	s0 =	sor.u32 s3, s0;
	s1 =	sshll.u32 s1, $0x11  }
0xbc: {  	s0 =	sor.u32 s1, s0  }
0xbd: {  	s0 =	sadd.s32 $0x8F2B, s0  }
0xbe: {  	[sflag:s0] =	ssyncadd.remote.s32 $0x1  }
0xbf: {  	_ =	sfence.sel $0xFFFF  }
0xc0: {  	[dreg:$0x0] =	wrdreg $0xFFFFFFFF;
	(pc) =	sbr.abs _section_cstart, $3  }
0xc1: {  	[dreg:$0x1] =	wrdreg $0xFFFFFFFF  }
0xc2: {  	_ =	task.clear_ibuf [dreg:s7], $0x2FFFF;
	_ =	strace $0x9FFFFFFF  }
0xc3: {  	(tm) =	ssettm $0x7FFFFFFF  }
tec
execute0_lowered:
.L_overlay_start_1:
0x0: {  	(tag) =	ssettag $0x1  }
0x1: {  	s3 =	rddreg [dreg:$0x0]  }
0x2: {  	s0 =	srdreg.scid;
	s7 =	rddreg [dreg:$0x1]  }
0x3: {  	s6 =	stileid.u32;
	s1 =	rddreg [dreg:$0x2]  }
0x4: {  	s2 =	simm.s32 $0x0;
	s11 =	simm.s32 $0x8400;
	s12 =	simm.s32 $0x100  }
0x5: {  	s13 =	simm.s32 $0xA400;
	s14 =	simm.s32 $0x180;
	s15 =	simm.s32 $0xC400  }
0x6: {  	s16 =	simm.s32 $0x4;
	s17 =	simm.s32 $0xE400;
	s18 =	simm.s32 $0x5  }
0x7: {  	s19 =	simm.s32 $0x6;
	s20 =	simm.s32 $0x7;
	s21 =	simm.s32 $0x3  }
0x8: {  	s22 =	simm.s32 $0x2;
	s23 =	simm.s32 $0x0;
	s4 =	sand.u32 $0x1, s0  }
0x9: {  	s29 =	sshll.u32 s6, $0x1;
	s0 =	rddreg [dreg:$0x3];
	s8 =	smul.u32 $0x320000, s6  }
0xa: {  	[smem:$0x7FF] =	sst s2;
	s5 =	sor.u32 s4, s29;
	s10 =	smul.u32 $0x190000, s4  }
0xb: {  	p0 =	sne.s32 s6, $0x0;
	s9 =	ssub.s32 $0x2, s4;
	s5 =	smul.u32 $0xC80, s5  }
.Ltmp0:
0xc: {  	_ =	strace $0x80000047;
	s31 =	sshrl.u32 s9, $0x1;
	(pc) =	sbr.rel .LBB2_1-.Ltmp0, $4  }
0xd: {  	s8 =	sadd.s32 s10, s8;
	s10 =	simm.s32 $0x6400;
	s30 =	sadd.s32 s5, s3  }
0xe: {  	s3 =	sadd.s32 $0x1A000, s3;
	s5 =	ssub.s32 s9, s31;
	s8 =	sshrl.u32 s8, $0x3  }
0xf: {  	s9 =	simm.s32 $0x80;
	s4 =	sadd.s32 $0x1000, s30;
	s5 =	smax.u32 s5, $0x1  }
0x10: {  	s6 =	sadd.s32 s8, s7;
	s7 =	sshrl.u32 @!p0 s1, $0x3;
	s8 =	simm.s32 $0x1  }
.LBB2_8:
0x11: {  	_ =	swait.ge [sflag:s18], $0x4000  }
0x12: {  	[sflag:s18] =	ssyncset.done $0x0  }
0x13: {  	s23 =	sadd.s32 $0x1, s23;
	[sflag:s18] =	ssyncadd.s32 $0xFFFFC000  }
0x14: {  	p1 =	sne.s32 s23, s5;
	_ =	swait.ge [sflag:s19], $0x4000  }
.Ltmp1:
0x15: {  	[sflag:s19] =	ssyncset.done $0x0;
	(pc) =	sbr.rel @!p1 .LBB2_9-.Ltmp1, $4  }
0x16: {  	[sflag:s19] =	ssyncadd.s32 $0xFFFFC000  }
0x17: {  	_ =	swait.ge [sflag:s20], $0x4000  }
0x18: {  	[sflag:s20] =	ssyncset.done $0x0  }
0x19: {  	[sflag:s20] =	ssyncadd.s32 $0xFFFFC000  }
.LBB2_1:
0x1a: {  	[tilespmem:s2], [sflag:$0x1] =	stream.linear.gather [hbm4b:s4+s2], $0x6400, $0x38;
	[tilespmem:$0x14380] =	vst v63  }
0x1b: {  	s24 =	simm.s32 @!p0 $0x1C08  }
0x1c: {  	[spmem:s7], [sflag:s24] =	dma.local @!p0 [hbm:s3], $0x3F00  }
0x1d: {  	s24 =	simm.s32 @!p0 $0x8  }
0x1e: {  	_ =	swait.ge @!p0 [sflag:s24], $0x3F00  }
0x1f: {  	[sflag:s24] =	ssyncset.done @!p0 $0x0  }
0x20: {  	[sflag:s24] =	ssyncadd.s32 @!p0 $0xFFFFC100  }
0x21: {  	[bflag:$0x0] =	sbarrier.arrive $0xFFFF  }
0x22: {  	_ =	swait.ge [sflag:s8], $0x6400  }
0x23: {  	[sflag:s8] =	ssyncset.done $0x0  }
0x24: {  	[sflag:s8] =	ssyncadd.s32 $0xFFFF9C00  }
0x25: {  	[tilespmem:s10], [sflag:$0x2] =	stream.indirect.gather [spmem:s1], $0x40, s2, s9, $0xb8;
	[tilespmem:$0x14380] =	vst v63  }
0x26: {  	_ = 	snop  }
0x27: {  	[tilespmem:s11], [sflag:$0x2] =	stream.indirect.gather [spmem:s1], $0x40, s9, s9, $0xb8;
	[tilespmem:$0x14380] =	vst v63  }
.Ltmp2:
0x28: {  	_ = 	snop;
	(pc) =	sbr.rel .LBB2_2-.Ltmp2, $4  }
0x29: {  	_ = 	snop  }
0x2a: {  	[tilespmem:s13], [sflag:$0x3] =	stream.indirect.gather [spmem:s1], $0x40, s12, s9, $0xb8;
	[tilespmem:$0x14380] =	vst v63  }
0x2b: {  	s25 =	smov.u32 s6;
	s26 =	simm.s32 $0x0;
	s24 =	simm.s32 $0x280  }
0x2c: {  	[tilespmem:s15], [sflag:$0x3] =	stream.indirect.gather [spmem:s1], $0x40, s14, s9, $0xb8;
	[tilespmem:$0x14380] =	vst v63  }
.LBB2_6:
0x2d: {  	_ =	swait.ge [sflag:s16], $0x2000  }
0x2e: {  	[sflag:s16] =	ssyncset.done $0x0  }
0x2f: {  	[sflag:s16] =	ssyncadd.s32 $0xFFFFE000  }
0x30: {  	_ =	swait.ge [sflag:s16], $0x2000  }
0x31: {  	p1 =	sgt.u32 s26, $0x61;
	[sflag:s16] =	ssyncset.done $0x0  }
0x32: {  	s28 =	simm.s32 @!p1 $0x6;
	[sflag:s16] =	ssyncadd.s32 $0xFFFFE000  }
0x33: {  	[hbm4b:s25+s2] =	stream.linear.scatter [tilespmem:s17], [sflag:$0x7], $0x4000, $0x38;
	[tilespmem:$0x14380] =	vst v63  }
0x34: {  	_ =	swait.ge @!p1 [sflag:s28], $0x4000  }
0x35: {  	s29 =	simm.s32 @!p1 $0x80;
	[sflag:s28] =	ssyncset.done @!p1 $0x0  }
0x36: {  	s30 =	simm.s32 @!p1 $0xA400;
	[sflag:s28] =	ssyncadd.s32 @!p1 $0xFFFFC000;
	s28 =	sadd.s32 @!p1 $0xFFFFFF80, s24  }
0x37: {  	[tilespmem:s30], [sflag:$0x3] =	stream.indirect.gather @!p1 [spmem:s1], $0x40, s28, s29, $0xb8;
	[tilespmem:$0x14380] =	vst v63  }
0x38: {  	s28 =	simm.s32 @!p1 $0xC400  }
0x39: {  	[tilespmem:s28], [sflag:$0x3] =	stream.indirect.gather @!p1 [spmem:s1], $0x40, s24, s29, $0xb8;
	[tilespmem:$0x14380] =	vst v63  }
.LBB2_7:
0x3a: {  	s26 =	sadd.s32 $0x1, s26  }
0x3b: {  	p1 =	sne.s32 s26, $0x64  }
.Ltmp3:
0x3c: {  	_ = 	snop;
	(pc) =	sbr.rel @!p1 .LBB2_8-.Ltmp3, $2  }
0x3d: {  	_ =	sdelay $0x2  }
0x3e: {  	s24 =	sadd.s32 $0x100, s24;
	s25 =	sadd.s32 $0x800, s25  }
.LBB2_2:
0x3f: {  	s28 =	smul.u32 $0xAB, s26;
	_ =	sdelay $0x1  }
0x40: {  	s28 =	sshrl.u32 s28, $0x9  }
0x41: {  	s28 =	sand.u32 $0x7F, s28  }
0x42: {  	s28 =	smul.u32 $0x3, s28;
	_ =	sdelay $0x1  }
0x43: {  	s28 =	ssub.s32 s26, s28  }
0x44: {  	s28 =	sand.u32 $0xFF, s28  }
0x45: {  	p1 =	seq.s32 s28, $0x2  }
.Ltmp4:
0x46: {  	_ = 	snop;
	(pc) =	sbr.rel @p1 .LBB2_6-.Ltmp4, $1  }
0x47: {  	_ =	sdelay $0x3  }
0x48: {  	p1 =	seq.s32 s28, $0x1  }
.Ltmp5:
0x49: {  	_ = 	snop;
	(pc) =	sbr.rel @!p1 .LBB2_4-.Ltmp5, $1  }
0x4a: {  	_ =	sdelay $0x3  }
0x4b: {  	_ =	swait.ge [sflag:s21], $0x2000  }
0x4c: {  	[sflag:s21] =	ssyncset.done $0x0  }
0x4d: {  	[sflag:s21] =	ssyncadd.s32 $0xFFFFE000  }
0x4e: {  	_ =	swait.ge [sflag:s21], $0x2000  }
0x4f: {  	p1 =	sgt.u32 s26, $0x61;
	[sflag:s21] =	ssyncset.done $0x0  }
0x50: {  	s28 =	simm.s32 @!p1 $0x5;
	[sflag:s21] =	ssyncadd.s32 $0xFFFFE000  }
0x51: {  	[hbm4b:s25+s2] =	stream.linear.scatter [tilespmem:s13], [sflag:$0x6], $0x4000, $0x38;
	[tilespmem:$0x14380] =	vst v63  }
0x52: {  	_ =	swait.ge @!p1 [sflag:s28], $0x4000  }
.Ltmp6:
0x53: {  	s29 =	simm.s32 @!p1 $0x80;
	[sflag:s28] =	ssyncset.done @!p1 $0x0;
	(pc) =	sbr.rel .LBB2_7-.Ltmp6, $4  }
0x54: {  	s30 =	simm.s32 @!p1 $0x6400;
	[sflag:s28] =	ssyncadd.s32 @!p1 $0xFFFFC000;
	s28 =	sadd.s32 @!p1 $0xFFFFFF80, s24  }
0x55: {  	[tilespmem:s30], [sflag:$0x2] =	stream.indirect.gather @!p1 [spmem:s1], $0x40, s28, s29, $0xb8;
	[tilespmem:$0x14380] =	vst v63  }
0x56: {  	s28 =	simm.s32 @!p1 $0x8400  }
0x57: {  	[tilespmem:s28], [sflag:$0x2] =	stream.indirect.gather @!p1 [spmem:s1], $0x40, s24, s29, $0xb8;
	[tilespmem:$0x14380] =	vst v63  }
.LBB2_4:
0x58: {  	_ =	swait.ge [sflag:s22], $0x2000  }
0x59: {  	[sflag:s22] =	ssyncset.done $0x0  }
0x5a: {  	p1 =	sgt.u32 s26, $0x61;
	[sflag:s22] =	ssyncadd.s32 $0xFFFFE000  }
0x5b: {  	p2 =	seq.s32 @!p1 s26, $0x0;
	_ =	swait.ge [sflag:s22], $0x2000  }
0x5c: {  	p2 =	por p2, p1;
	[sflag:s22] =	ssyncset.done $0x0  }
0x5d: {  	s28 =	simm.s32 @!p2 $0x7;
	[sflag:s22] =	ssyncadd.s32 $0xFFFFE000  }
0x5e: {  	[hbm4b:s25+s2] =	stream.linear.scatter [tilespmem:s10], [sflag:$0x5], $0x4000, $0x38;
	[tilespmem:$0x14380] =	vst v63  }
0x5f: {  	_ =	swait.ge @!p2 [sflag:s28], $0x4000  }
.Ltmp7:
0x60: {  	s29 =	simm.s32 @!p1 $0x80;
	[sflag:s28] =	ssyncset.done @!p2 $0x0;
	(pc) =	sbr.rel .LBB2_7-.Ltmp7, $4  }
0x61: {  	s30 =	simm.s32 @!p1 $0xE400;
	[sflag:s28] =	ssyncadd.s32 @!p2 $0xFFFFC000;
	s28 =	sadd.s32 @!p1 $0xFFFFFF80, s24  }
0x62: {  	[tilespmem:s30], [sflag:$0x4] =	stream.indirect.gather @!p1 [spmem:s1], $0x40, s28, s29, $0xb8;
	[tilespmem:$0x14380] =	vst v63  }
0x63: {  	s28 =	simm.s32 @!p1 $0x10400  }
0x64: {  	[tilespmem:s28], [sflag:$0x4] =	stream.indirect.gather @!p1 [spmem:s1], $0x40, s24, s29, $0xb8;
	[tilespmem:$0x14380] =	vst v63  }
.LBB2_9:
0x65: {  	_ =	sfence.sel $0x180000  }
0x66: {  	[bflag:$0x0] =	sbarrier.arrive $0xFFFF  }
0x67: {  	_ =	strace $0x90000047  }
0x68: {  	s0 =	sadd.s32 @!p0 $0x100000, s0;
	[bflag:$0x2] =	sbarrier.arrive $0xFFFF  }
0x69: {  	[sflag:s0] =	ssyncadd.tile.s32 @!p0 $0x1;
	_ =	shalt  }
.Lfunc_end2:
_tile_overlayer_lowered:
.L_overlay_start_2:
0x6a: {  	(tag) =	ssettag $0x2  }
0x6b: {  	s0 =	rddreg [dreg:$0x0];
	s2 =	stileid.u32  }
0x6c: {  	s1 =	rddreg [dreg:$0x1];
	p0 =	sne.s32 s2, $0x0  }
0x6d: {  	s3 =	rddreg [dreg:$0x2];
	[bflag:$0x3] =	sbarrier.arrive $0xFFFF;
	s2 =	simm.s32 @!p0 $0x1C08  }
0x6e: {  	[timem:s3], [sflag:s2] =	dma.local @!p0 [hbm:s0], s1  }
0x6f: {  	s0 =	simm.s32 @!p0 $0x8  }
0x70: {  	_ =	swait.ge @!p0 [sflag:s0], s1  }
0x71: {  	s1 =	ssub.s32 @!p0 $0x0, s1;
	[sflag:s0] =	ssyncset.done @!p0 $0x0  }
0x72: {  	[sflag:s0] =	ssyncadd.s32 @!p0 s1  }
0x73: {  	[bflag:$0x3] =	sbarrier.arrive $0xFFFF  }
0x74: {  	_ =	shalt  }

// kernel: sparse-core-data-format-call.cloned.1.call-start
scs
called_computation_lowered:
.L_overlay_start_0:
0x0: {  	s2 =	sld [smem:$0x3FD9]  }
0x1: {  	s3 =	sld [smem:$0x3FFE];
	_ =	sdelay $0x1  }
0x2: {  	s1 =	srdreg.scid  }
0x3: {  	s0 =	sand.u32 $0x1, s1  }
0x4: {  	s18 =	sshll.u32 s0, $0xA;
	s2 =	sadd.s32 s3, s2  }
0x5: {  	s2 =	sadd.s32 s2, s18  }
0x6: {  	[smem:$0x3FC3] =	sst s2  }
0x7: {  	_ = 	snop  }
0x8: {  	s2 =	sld [smem:$0x3FD0];
	(tm) =	ssettm $0x1  }
0x9: {  	s19 =	sld [smem:$0x3FFB];
	_ =	sdelay $0x3  }
0xa: {  	_ =	strace s19  }
0xb: {  	s3 =	sld [smem:$0x3FFC];
	_ =	sdelay $0x3  }
0xc: {  	_ =	strace s3  }
0xd: {  	s3 =	sld [smem:$0x3FFD];
	_ =	sdelay $0x3  }
0xe: {  	_ =	strace s3  }
0xf: {  	_ =	strace $0x8FFFFFFF  }
0x10: {  	s20 =	sld [smem:$0x3FDB];
	_ =	sdelay $0x1  }
0x11: {  	s4 =	simm.s32 $_scs_section_size  }
0x12: {  	s5 =	simm.s32 $_size__tile_overlayer_lowered;
	s6 =	simm.s32 $_tile_overlayer_lowered  }
0x13: {  	s23 =	simm.s32 $0x1BFF;
	s22 =	sshll.u32 s6, $0x1;
	s3 =	sadd.s32 s4, s20  }
0x14: {  	s7 =	simm.s32 $0x0;
	s21 =	sshll.u32 s5, $0x1;
	s5 =	sadd.s32 s22, s3  }
0x15: {  	[timem:s7], [sflag:s23] =	dma.local [hbm:s5], s21  }
0x16: {  	_ =	swait.ge [sflag:s23], s21  }
0x17: {  	s4 =	ssub.s32 $0x0, s21;
	[sflag:s23] =	ssyncset.done $0x0  }
0x18: {  	[sflag:s23] =	ssyncadd.s32 s4;
	_ =	sdelay $0x1  }
0x19: {  	s24 =	simm.s32 $0x1B8B  }
0x1a: {  	_ =	swait.ge [sflag:s24], $0x1  }
0x1b: {  	[sflag:s24] =	ssyncset.done $0x0  }
0x1c: {  	s26 =	simm.s32 $0x1B8E;
	s25 =	sld [smem:$0x3FFE];
	[sflag:s24] =	ssyncadd.s32 $0xFFFFFFFF  }
0x1d: {  	s27 =	simm.s32 $execute0_lowered;
	[smem:$0x3FD2] =	sst s26  }
0x1e: {  	s5 =	sshll.u32 s27, $0x1;
	_ =	strace $0x80000049;
	[dreg:$0x1] =	wrdreg $0xFFFFFFFF  }
0x1f: {  	s28 =	simm.s32 $_size_execute0_lowered;
	s3 =	sadd.s32 s3, s5;
	[dreg:$0x0] =	wrdreg $0x0  }
0x20: {  	s5 =	sshll.u32 s28, $0x1;
	[dreg:$0x2] =	wrdreg s3  }
0x21: {  	[dreg:$0x3] =	wrdreg s5  }
0x22: {  	[dreg:$0x4] =	wrdreg $0xC0  }
0x23: {  	_ =	task [dreg:s7], $0x5FFFF  }
0x24: {  	[dreg:$0x1] =	wrdreg $0xFFFFFFFF  }
0x25: {  	[dreg:$0x0] =	wrdreg $0x60  }
0x26: {  	[dreg:$0x2] =	wrdreg s25  }
0x27: {  	[dreg:$0x3] =	wrdreg s2  }
0x28: {  	[dreg:$0x4] =	wrdreg $0x9  }
0x29: {  	_ =	task.clear_ibuf [dreg:s7], $0x5FFFF;
	_ =	strace $0x90000049  }
0x2a: {  	s29 =	simm.s32 $0x9;
	_ =	strace $0x8000004B  }
0x2b: {  	_ =	swait.ge [sflag:s29], $0x1  }
0x2c: {  	[sflag:s29] =	ssyncadd.s32 $0xFFFFFFFF  }
0x2d: {  	_ =	strace $0x9000004B  }
0x2e: {  	_ =	sfence  }
0x2f: {  	s30 =	sld [smem:$0x0];
	_ =	sdelay $0x2  }
0x30: {  	s31 =	sshll.u32 s1, $0xD;
	s1 =	sshrl.u32 s1, $0x2  }
0x31: {  	s3 =	sand.u32 $0x4000, s31;
	s1 =	sadd.s32 s1, s30  }
0x32: {  	s0 =	sor.u32 s3, s0;
	s1 =	sshll.u32 s1, $0x11  }
0x33: {  	s0 =	sor.u32 s1, s0  }
0x34: {  	s0 =	sadd.s32 $0x8F2B, s0  }
0x35: {  	[sflag:s0] =	ssyncadd.remote.s32 $0x1  }
0x36: {  	_ =	sfence.sel $0xFFFF  }
0x37: {  	[dreg:$0x0] =	wrdreg $0xFFFFFFFF;
	(pc) =	sbr.abs _section_cstart, $3  }
0x38: {  	[dreg:$0x1] =	wrdreg $0xFFFFFFFF  }
0x39: {  	_ =	task.clear_ibuf [dreg:s7], $0x2FFFF;
	_ =	strace $0x9FFFFFFF  }
0x3a: {  	(tm) =	ssettm $0x7FFFFFFF  }
0x3b: {  	_ =	shalt  }
tec
execute0_lowered:
.L_overlay_start_1:
0x0: {  	(tag) =	ssettag $0x1  }
0x1: {  	s0 =	srdreg.scid  }
0x2: {  	s1 =	sshll.u32 s0, $0x4  }
0x3: {  	s0 =	stileid.u32;
	s1 =	sand.u32 $0x10, s1  }
0x4: {  	s1 =	sor.u32 s0, s1  }
0x5: {  	s6 =	rddreg [dreg:$0x0];
	s4 =	simm.s32 $0x1;
	s2 =	sshll.u32 s1, $0x7  }
0x6: {  	s7 =	simm.s32 $0x2;
	s12 =	simm.s32 $0x0;
	s1 =	ssub.s32 $0x1000, s2  }
0x7: {  	s8 =	simm.s32 $0x8000;
	s13 =	simm.s32 $0x0;
	s3 =	sand.u32 $0xF80, s1  }
0x8: {  	s9 =	simm.s32 $0x0;
	s5 =	sshrl.u32 s1, $0xC;
	p0 =	sne.s32 s3, $0x0  }
.Ltmp0:
0x9: {  	s1 =	rddreg [dreg:$0x2];
	s4 =	simm.s32 @!p0 $0x0;
	(pc) =	sbr.rel .LBB1_1-.Ltmp0, $4  }
0xa: {  	s11 =	simm.s32 $0x0;
	s3 =	rddreg [dreg:$0x1];
	s5 =	sadd.s32 s4, s5  }
0xb: {  	_ =	strace $0x8000004A;
	s4 =	simm.s32 $0x1;
	s5 =	smul.u32 $0xC8, s5  }
0xc: {  	s6 =	sadd.s32 $0x1000, s6;
	s10 =	smov.u32 s2;
	[sflag:s4] =	ssyncpa.u1 $0x0  }
0xd: {  	p0 =	por $0x0, $0x0;
	[sflag:s7] =	ssyncpa.u1 $0x0;
	s7 =	sor.u32 $0x1, s5  }
.LBB1_4:
0xe: {  	s16 =	sshll.u32 s13, $0x3;
	s17 =	sand.u32 $0x78, s13  }
0xf: {  	s30 =	sand.u32 $0x7E00, s13;
	s12 =	sshll.u32 s12, $0xF;
	s16 =	sand.u32 $0xC00, s16  }
0x10: {  	[tilespmem:s15+$0x810 ss:$0x81] =	vst.msk $0xffff, v2;
	s31 =	sand.u32 $0x7, s13;
	s16 =	sor.u32 s17, s16;
	s17 =	sadd.s32 s3, s30  }
0x11: {  	[tilespmem:s15+$0x1020 ss:$0x81] =	vst.msk $0xffff, v0;
	s13 =	sshll.u32 s31, $0x12;
	s12 =	sadd.s32 s12, s17;
	s16 =	sshrl.u32 s16, $0x3  }
0x12: {  	[tilespmem:s15+$0x0 ss:$0x81] =	vst.msk $0xffff, v1;
	s13 =	sor.u32 $0x400, s13;
	s12 =	sadd.s32 s16, s12  }
0x13: {  	[hbm4b:s12+s13] =	stream.strided.scatter [tilespmem:s14], [sflag:$0x2], $0x2000, s8, s13, $0x20;
	[tilespmem:$0x8080] =	vst v63  }
.LBB1_5:
0x14: {  	s14 =	sadd.s32 $0x1, s9  }
0x15: {  	s12 =	sadd.s32 $0x1000, s10;
	s16 =	smov.u32 s10;
	p2 =	sgt.s32 s14, $0xC7  }
0x16: {  	s16 =	smov.u32 @p2 s12  }
0x17: {  	s14 =	simm.s32 @p2 $0x0;
	p2 =	sgt.s32 s16, $0xFFF  }
0x18: {  	s16 =	smov.u32 @p2 s2;
	p2 =	sne.s32 s11, s7  }
.Ltmp1:
0x19: {  	p1 =	slt.u32 s11, $0x2;
	(pc) =	sbr.rel @!p2 .LBB1_6-.Ltmp1, $4  }
0x1a: {  	s15 =	simm.s32 @!p1 $0x2  }
0x1b: {  	s13 =	smov.u32 s10;
	p0 =	por !p0, !p0;
	_ =	swait.ge @!p1 [sflag:s15], $0x2000  }
0x1c: {  	s12 =	smov.u32 s9;
	[sflag:s15] =	ssyncset.done @!p1 $0x0;
	s9 =	smov.u32 s14  }
0x1d: {  	s11 =	sadd.s32 $0x1, s11;
	[sflag:s15] =	ssyncadd.s32 @!p1 $0xFFFFE000;
	s10 =	smov.u32 s16  }
.LBB1_1:
0x1e: {  	p1 =	sge.u32 s11, s5  }
0x1f: {  	s14 =	sand.u32 @!p1 $0x1FFFFFF, s9  }
0x20: {  	s15 =	smulhi.u32 @!p1 $0x147AE15, s14;
	_ =	sdelay $0x1  }
0x21: {  	s15 =	smul.u32 @!p1 $0xC8, s15  }
0x22: {  	s16 =	sxor.u32 @!p1 $0xFFFFFFFF, s11;
	s17 =	smul.u32 @!p1 $0xC80, s10  }
0x23: {  	s31 =	sadd.s32 $0xFFFFFFFF, s11;
	s16 =	sshll.u32 @!p1 s16, $0xD;
	s14 =	ssub.s32 @!p1 s14, s15  }
0x24: {  	s15 =	sand.u32 @!p1 $0x2000, s16;
	s16 =	sadd.s32 @!p1 s6, s17;
	s14 =	sshll.u32 @!p1 s14, $0x4  }
0x25: {  	s17 =	simm.s32 @!p1 $0x6400;
	s14 =	sadd.s32 @!p1 s14, s16;
	s16 =	simm.s32 @!p1 $0x40  }
0x26: {  	[tilespmem:s15], [sflag:$0x1] =	stream.strided.gather @!p1 [hbm4b:s14+s16], $0x2000, s17, s16, $0x38;
	[tilespmem:$0x8080] =	vst v63  }
0x27: {  	p1 =	sge.u32 s31, s5  }
.Ltmp2:
0x28: {  	_ = 	snop;
	(pc) =	sbr.rel @p1 .LBB1_5-.Ltmp2, $1  }
0x29: {  	_ =	sdelay $0x3  }
0x2a: {  	s14 =	simm.s32 $0x1  }
0x2b: {  	_ =	swait.ge [sflag:s4], $0x2000;
	s14 =	simm.s32 @!p0 $0x0  }
0x2c: {  	[sflag:s4] =	ssyncset.done $0x0;
	s15 =	sshll.u32 s14, $0xD  }
0x2d: {  	[sflag:s4] =	ssyncadd.s32 $0xFFFFE000;
	s18 =	sor.u32 $0x20, s15  }
0x2e: {  	s14 =	smul.u32 $0x8100, s14;
	v3 =	vld [tilespmem:s18+$0x10]  }
0x2f: {  	s30 =	sand.u32 $0x1, s11;
	v2 =	vld [tilespmem:s18+$0xFFFFFFF0]  }
0x30: {  	s15 =	smul.u32 $0x8100, s30;
	s14 =	sshrl.u32 s14, $0x2;
	v0 =	vld [tilespmem:s18+$0x0]  }
0x31: {  	v1 =	vld [tilespmem:s18+$0xFFFFFFE0];
	s16 =	sor.u32 $0x4000, s14  }
0x32: {  	s31 =	sshrl.u32 s15, $0x2;
	s15 =	sadd.s32 $0x0, s16  }
0x33: {  	s17 =	simm.s32 $0x4;
	s18 =	sadd.s32 $0x40, s18;
	s14 =	sor.u32 $0x4000, s31;
	[tilespmem:s15+$0x1830 ss:$0x81] =	vst.msk $0xffff, v3  }
.LBB1_3:
0x34: {  	v3 =	vld [tilespmem:s18+$0x10];
	p1 =	sne.s32 s17, $0x1FC;
	[tilespmem:s15+$0x810 ss:$0x81] =	vst.msk $0xffff, v2;
	s19 =	smov.u32 s17;
	s17 =	sadd.s32 $0x4, s17  }
.Ltmp3:
0x35: {  	v2 =	vld [tilespmem:s18+$0xFFFFFFF0];
	[tilespmem:s15+$0x1020 ss:$0x81] =	vst.msk $0xffff, v0;
	(pc) =	sbr.rel @p1 .LBB1_3-.Ltmp3, $4  }
0x36: {  	v0 =	vld [tilespmem:s18+$0x0];
	[tilespmem:s15+$0x0 ss:$0x81] =	vst.msk $0xffff, v1  }
0x37: {  	s15 =	sshra.s32 s19, $0x2;
	v1 =	vld [tilespmem:s18+$0xFFFFFFE0]  }
0x38: {  	s15 =	sadd.s32 s15, s16  }
0x39: {  	s18 =	sadd.s32 $0x40, s18;
	[tilespmem:s15+$0x1830 ss:$0x81] =	vst.msk $0xffff, v3  }
.Ltmp4:
0x3a: {  	_ = 	snop;
	(pc) =	sbr.rel .LBB1_4-.Ltmp4, $1  }
0x3b: {  	_ =	sdelay $0x3  }
.LBB1_6:
0x3c: {  	_ =	sfence.sel $0x180000  }
0x3d: {  	s2 =	simm.s32 $0x1;
	[bflag:$0x0] =	sbarrier.arrive $0xFFFF  }
0x3e: {  	s31 =	simm.s32 $0x2;
	[sflag:s2] =	ssyncpa.u1 $0x1  }
0x3f: {  	[sflag:s31] =	ssyncpa.u1 $0x1  }
0x40: {  	p0 =	sne.s32 s0, $0x0;
	_ =	strace $0x9000004A  }
0x41: {  	s0 =	sadd.s32 @!p0 $0x100000, s1;
	[bflag:$0x2] =	sbarrier.arrive $0xFFFF  }
0x42: {  	[sflag:s0] =	ssyncadd.tile.s32 @!p0 $0x1;
	_ =	shalt  }
.Lfunc_end1:
_tile_overlayer_lowered:
.L_overlay_start_2:
0x43: {  	(tag) =	ssettag $0x2  }
0x44: {  	s0 =	rddreg [dreg:$0x0];
	s2 =	stileid.u32  }
0x45: {  	s1 =	rddreg [dreg:$0x1];
	p0 =	sne.s32 s2, $0x0  }
0x46: {  	s3 =	rddreg [dreg:$0x2];
	[bflag:$0x3] =	sbarrier.arrive $0xFFFF;
	s2 =	simm.s32 @!p0 $0x1C01  }
0x47: {  	[timem:s3], [sflag:s2] =	dma.local @!p0 [hbm:s0], s1  }
0x48: {  	s0 =	simm.s32 @!p0 $0x1  }
0x49: {  	_ =	swait.ge @!p0 [sflag:s0], s1  }
0x4a: {  	s1 =	ssub.s32 @!p0 $0x0, s1;
	[sflag:s0] =	ssyncset.done @!p0 $0x0  }
0x4b: {  	[sflag:s0] =	ssyncadd.s32 @!p0 s1  }
0x4c: {  	[bflag:$0x3] =	sbarrier.arrive $0xFFFF  }
0x4d: {  	_ =	shalt  }

</sc_bundles>
